<compile_context>
chip_gen: v7x
topology: tpu7x:2x2x1
jax: 0.10.2.dev20260603
libtpu: 0.0.44.dev20260713+nightly
codegen_flags: <defaults>
</compile_context>

<pallas_src>
import functools

import jax
import jax.numpy as jnp
from jax import lax
from jax.experimental import pallas as pl
from jax.experimental.pallas import tpu as pltpu
from jax.experimental.pallas import tpu_sc as plsc

N = 10000
D = 128
E = 320000
AW = 144
NC, NS = 2, 16
NW = NC * NS
EPW = E // NW
K = 80
NCHUNK = EPW // K
RPT = 640
R2 = 80
NV = AW // 16


def _prep_body(x_ref, wp_ref, we_ref, a_ref, b_ref, each_ref):
    i = pl.program_id(0)
    xb = x_ref[...]
    wp = wp_ref[...]
    we = we_ref[...]
    z2 = xb * wp * (-2.0)
    q = jnp.sum(xb * xb * wp, axis=1, keepdims=True)
    ones = jnp.ones_like(q)
    pad = jnp.zeros((xb.shape[0], AW - D - 2), xb.dtype)
    a_ref[...] = jnp.concatenate([z2, ones, q, pad], axis=1)
    b_ref[...] = jnp.concatenate([xb, q, ones, pad], axis=1)

    @pl.when(i == 0)
    def _():
        each_ref[...] = jnp.zeros_like(each_ref)

    each_ref[...] = each_ref[...] + jnp.sum(xb * we).reshape(1, 1)


def _prep(xf, wp_row, we_row):
    rows = 1000
    grid = N // rows
    return pl.pallas_call(
        _prep_body,
        grid=(grid,),
        in_specs=[
            pl.BlockSpec((rows, D), lambda i: (i, 0)),
            pl.BlockSpec((1, D), lambda i: (0, 0)),
            pl.BlockSpec((1, D), lambda i: (0, 0)),
        ],
        out_specs=[
            pl.BlockSpec((rows, AW), lambda i: (i, 0)),
            pl.BlockSpec((rows, AW), lambda i: (i, 0)),
            pl.BlockSpec((1, 1), lambda i: (0, 0)),
        ],
        out_shape=[
            jax.ShapeDtypeStruct((N, AW), jnp.float32),
            jax.ShapeDtypeStruct((N, AW), jnp.float32),
            jax.ShapeDtypeStruct((1, 1), jnp.float32),
        ],
    )(xf, wp_row, we_row)


def _sc_edge_body(a_hbm, b_hbm, edge_hbm, out_hbm,
                  S, idx2, abuf, sbuf, bbuf, obuf, sem):
    c = lax.axis_index("c")
    s = lax.axis_index("s")
    wid = c * NS + s
    row_base = s * RPT
    n_sub = lax.select(s == NS - 1, 5, 8)

    zv = jnp.zeros((16,), jnp.float32)

    def zrow(r, carry):
        for v in range(NV):
            sbuf[r, pl.ds(v * 16, 16)] = zv
        return carry

    lax.fori_loop(0, R2, zrow, 0)

    def zcopy(t, carry):
        pltpu.sync_copy(sbuf, S.at[pl.ds(row_base + t * R2, R2)])
        return carry

    lax.fori_loop(0, n_sub, zcopy, 0)
    plsc.subcore_barrier()

    def step(j, carry):
        pltpu.sync_copy(edge_hbm.at[wid, j], idx2)
        pltpu.async_copy(a_hbm.at[idx2.at[0]], abuf, sem).wait()
        pltpu.sync_copy(abuf, S.at[idx2.at[1]], add=True)
        return carry

    lax.fori_loop(0, NCHUNK, step, 0)
    plsc.subcore_barrier()

    def red_chunk(t, acc):
        base = row_base + t * R2
        pltpu.sync_copy(S.at[pl.ds(base, R2)], sbuf)
        pltpu.sync_copy(b_hbm.at[pl.ds(base, R2)], bbuf)

        def rrow(r, acc):
            for v in range(NV):
                acc = acc + sbuf[r, pl.ds(v * 16, 16)] * bbuf[r, pl.ds(v * 16, 16)]
            return acc

        return lax.fori_loop(0, R2, rrow, acc)

    acc = lax.fori_loop(0, n_sub, red_chunk, jnp.zeros((16,), jnp.float32))
    obuf[...] = acc
    pltpu.sync_copy(obuf, out_hbm.at[pl.ds(wid * 16, 16)])


@functools.cache
def _build_sc_kernel():
    mesh = plsc.VectorSubcoreMesh(
        core_axis_name="c", subcore_axis_name="s", num_cores=NC, num_subcores=NS
    )
    return pl.kernel(
        _sc_edge_body,
        out_type=jax.ShapeDtypeStruct((NW * 16,), jnp.float32),
        mesh=mesh,
        compiler_params=pltpu.CompilerParams(use_tc_tiling_on_sc=False),
        scratch_types=[
            pltpu.VMEM_SHARED((N, AW), jnp.float32),
            pltpu.VMEM((2, K), jnp.int32),
            pltpu.VMEM((K, AW), jnp.float32),
            pltpu.VMEM((R2, AW), jnp.float32),
            pltpu.VMEM((R2, AW), jnp.float32),
            pltpu.VMEM((16,), jnp.float32),
            pltpu.SemaphoreType.DMA,
        ],
    )


def kernel(x, edge_idx, w_pair, w_each):
    xf = x.reshape(N, D)
    a_tab, b_tab, each = _prep(xf, w_pair.reshape(1, D), w_each.reshape(1, D))
    edges = jnp.stack(
        [edge_idx[0].reshape(NW, NCHUNK, K), edge_idx[1].reshape(NW, NCHUNK, K)],
        axis=2,
    )
    parts = _build_sc_kernel()(a_tab, b_tab, edges)
    return (jnp.sum(parts) + each[0, 0]).reshape(1)

# --- scband reference (transcript-rebuilt; emitter-appended) ---
"""Pipeline reference for scband-vfunc-18124761989532 (READ-ONLY COPY).

The authoritative reference and input builder live on the scoring server;
editing this copy changes nothing except your own understanding.
"""

import jax, jax.numpy as jnp
import numpy as np

B, N, D = 1, 10000, 128
E = 320000

def setup_inputs(seed: int = 0) -> dict:
    key = jax.random.key(seed)
    k1, k2, k3, k4 = jax.random.split(key, 4)
    x = jax.random.normal(k1, (B, N, D), dtype=jnp.float32)
    edge_idx = jax.random.randint(k2, (2, E), 0, N, dtype=jnp.int32)
    # Learned parameters for the pair_func (v_ij) and each_func (v_i).
    w_pair = jax.random.normal(k3, (D, 1), dtype=jnp.float32) * 0.1
    w_each = jax.random.normal(k4, (D, 1), dtype=jnp.float32) * 0.1
    return {"x": x, "edge_idx": edge_idx, "w_pair": w_pair, "w_each": w_each}

def reference(x, edge_idx, w_pair, w_each):
    batch_size, n, d = x.shape
    xf = x.reshape(batch_size * n, d)
    out = jnp.zeros((batch_size * n,), dtype=xf.dtype)
    # pair_func: v_ij(x_i, x_j) = sum_d w_pair_d * (x_i - x_j)^2, scatter-added to dst node
    src = edge_idx[0]
    dst = edge_idx[1]
    diff = jnp.take(xf, src, axis=0) - jnp.take(xf, dst, axis=0)  # [E, d] gathers
    m = (diff * diff) @ w_pair  # [E, 1]
    pair = jnp.zeros((batch_size * n, 1), dtype=xf.dtype).at[dst].add(m)  # scatter-add
    out = out + pair.squeeze(-1)
    # each_func: v_i(x_i) = x_i @ w_each
    each = xf @ w_each  # [B*n, 1]
    out = out + each.squeeze(-1)
    out = out.reshape(batch_size, n).sum(axis=-1)
    return out

if __name__ == "__main__":
    import jax
    _d = setup_inputs()
    print(jax.jit(kernel)(*tuple(_d.values())))

</pallas_src>

<mosaic_0001>
#map = affine_map<(d0, d1) -> (0, 0)>
#map1 = affine_map<(d0, d1) -> (0, 0, 0, 0)>
#map2 = affine_map<(d0, d1) -> (0)>
module attributes {stable_mosaic.version = 14 : i64} {
  func.func @_sc_edge_body(%arg0: i32, %arg1: i32, %arg2: memref<10000x144xf32, #tpu.memory_space<hbm>>, %arg3: memref<10000x144xf32, #tpu.memory_space<hbm>>, %arg4: memref<32x125x2x80xi32, #tpu.memory_space<hbm>>, %arg5: memref<512xf32, #tpu.memory_space<hbm>>, %arg6: memref<10000x144xf32, #tpu.memory_space<vmem_shared>>, %arg7: memref<2x80xi32, #tpu.memory_space<vmem>>, %arg8: memref<80x144xf32, #tpu.memory_space<vmem>>, %arg9: memref<80x144xf32, #tpu.memory_space<vmem>>, %arg10: memref<80x144xf32, #tpu.memory_space<vmem>>, %arg11: memref<16xf32, #tpu.memory_space<vmem>>, %arg12: memref<!tpu.dma_semaphore, #tpu.memory_space<semaphore_mem>>) attributes {dimension_semantics = [#tpu.dimension_semantics<core_parallel>, #tpu.dimension_semantics<subcore_parallel>], iteration_bounds = array<i64: 2, 16>, scalar_prefetch = 0 : i64, scratch_operands = 7 : i64, tpu.core_type = #tpu.core_type<sc_vector_subcore>, window_params = [{transform_indices = #map}, {transform_indices = #map}, {transform_indices = #map1}, {transform_indices = #map2}]} {
    %mul3A = arith.constant 16 : i32
    %mul3A_0 = arith.muli %arg0, %mul3A : i32
    %add3A = arith.addi %mul3A_0, %arg1 : i32
    %mul3A_1 = arith.constant 640 : i32
    %mul3A_2 = arith.muli %arg1, %mul3A_1 : i32
    %eq3A = arith.constant 15 : i32
    %eq3A_3 = arith.cmpi eq, %arg1, %eq3A : i32
    %select_n3A = arith.constant 8 : i32
    %select_n3A_4 = arith.constant 5 : i32
    %select_n3A_5 = arith.select %eq3A_3, %select_n3A_4, %select_n3A : i32
    %broadcast_in_dim3A = arith.constant 0.000000e+00 : f32
    %broadcast_in_dim3A_6 = vector.broadcast %broadcast_in_dim3A : f32 to vector<16xf32>
    %scan3A = arith.constant 0 : i32
    %scan3A_7 = arith.constant 0 : i32
    %scan3A_8 = arith.constant 80 : i32
    %scan3A_9 = arith.addi %scan3A_7, %scan3A_8 : i32
    %scan3A_10 = arith.constant 1 : i32
    scf.for %scan3A_46 = %scan3A_7 to %scan3A_9 step %scan3A_10  : i32 {
      %swap3A_47 = arith.index_cast %scan3A_46 : i32 to index
      %swap3A_48 = arith.constant 0 : index
      %swap3A_49 = tpu.vector_load %arg9[%swap3A_47, %swap3A_48] {strides = array<i32>} : memref<80x144xf32, #tpu.memory_space<vmem>>, vector<1x16xf32>,
      %swap3A_50 = vector.shape_cast %swap3A_49 : vector<1x16xf32> to vector<16xf32>
      %swap3A_51 = vector.shape_cast %broadcast_in_dim3A_6 : vector<16xf32> to vector<1x16xf32>
      tpu.vector_store %arg9[%swap3A_47, %swap3A_48], %swap3A_51 {strides = array<i32>} : memref<80x144xf32, #tpu.memory_space<vmem>>, vector<1x16xf32>,
      %swap3A_52 = arith.index_cast %scan3A_46 : i32 to index
      %swap3A_53 = arith.constant 16 : index
      %swap3A_54 = tpu.vector_load %arg9[%swap3A_52, %swap3A_53] {strides = array<i32>} : memref<80x144xf32, #tpu.memory_space<vmem>>, vector<1x16xf32>,
      %swap3A_55 = vector.shape_cast %swap3A_54 : vector<1x16xf32> to vector<16xf32>
      %swap3A_56 = vector.shape_cast %broadcast_in_dim3A_6 : vector<16xf32> to vector<1x16xf32>
      tpu.vector_store %arg9[%swap3A_52, %swap3A_53], %swap3A_56 {strides = array<i32>} : memref<80x144xf32, #tpu.memory_space<vmem>>, vector<1x16xf32>,
      %swap3A_57 = arith.index_cast %scan3A_46 : i32 to index
      %swap3A_58 = arith.constant 32 : index
      %swap3A_59 = tpu.vector_load %arg9[%swap3A_57, %swap3A_58] {strides = array<i32>} : memref<80x144xf32, #tpu.memory_space<vmem>>, vector<1x16xf32>,
      %swap3A_60 = vector.shape_cast %swap3A_59 : vector<1x16xf32> to vector<16xf32>
      %swap3A_61 = vector.shape_cast %broadcast_in_dim3A_6 : vector<16xf32> to vector<1x16xf32>
      tpu.vector_store %arg9[%swap3A_57, %swap3A_58], %swap3A_61 {strides = array<i32>} : memref<80x144xf32, #tpu.memory_space<vmem>>, vector<1x16xf32>,
      %swap3A_62 = arith.index_cast %scan3A_46 : i32 to index
      %swap3A_63 = arith.constant 48 : index
      %swap3A_64 = tpu.vector_load %arg9[%swap3A_62, %swap3A_63] {strides = array<i32>} : memref<80x144xf32, #tpu.memory_space<vmem>>, vector<1x16xf32>,
      %swap3A_65 = vector.shape_cast %swap3A_64 : vector<1x16xf32> to vector<16xf32>
      %swap3A_66 = vector.shape_cast %broadcast_in_dim3A_6 : vector<16xf32> to vector<1x16xf32>
      tpu.vector_store %arg9[%swap3A_62, %swap3A_63], %swap3A_66 {strides = array<i32>} : memref<80x144xf32, #tpu.memory_space<vmem>>, vector<1x16xf32>,
      %swap3A_67 = arith.index_cast %scan3A_46 : i32 to index
      %swap3A_68 = arith.constant 64 : index
      %swap3A_69 = tpu.vector_load %arg9[%swap3A_67, %swap3A_68] {strides = array<i32>} : memref<80x144xf32, #tpu.memory_space<vmem>>, vector<1x16xf32>,
      %swap3A_70 = vector.shape_cast %swap3A_69 : vector<1x16xf32> to vector<16xf32>
      %swap3A_71 = vector.shape_cast %broadcast_in_dim3A_6 : vector<16xf32> to vector<1x16xf32>
      tpu.vector_store %arg9[%swap3A_67, %swap3A_68], %swap3A_71 {strides = array<i32>} : memref<80x144xf32, #tpu.memory_space<vmem>>, vector<1x16xf32>,
      %swap3A_72 = arith.index_cast %scan3A_46 : i32 to index
      %swap3A_73 = arith.constant 80 : index
      %swap3A_74 = tpu.vector_load %arg9[%swap3A_72, %swap3A_73] {strides = array<i32>} : memref<80x144xf32, #tpu.memory_space<vmem>>, vector<1x16xf32>,
      %swap3A_75 = vector.shape_cast %swap3A_74 : vector<1x16xf32> to vector<16xf32>
      %swap3A_76 = vector.shape_cast %broadcast_in_dim3A_6 : vector<16xf32> to vector<1x16xf32>
      tpu.vector_store %arg9[%swap3A_72, %swap3A_73], %swap3A_76 {strides = array<i32>} : memref<80x144xf32, #tpu.memory_space<vmem>>, vector<1x16xf32>,
      %swap3A_77 = arith.index_cast %scan3A_46 : i32 to index
      %swap3A_78 = arith.constant 96 : index
      %swap3A_79 = tpu.vector_load %arg9[%swap3A_77, %swap3A_78] {strides = array<i32>} : memref<80x144xf32, #tpu.memory_space<vmem>>, vector<1x16xf32>,
      %swap3A_80 = vector.shape_cast %swap3A_79 : vector<1x16xf32> to vector<16xf32>
      %swap3A_81 = vector.shape_cast %broadcast_in_dim3A_6 : vector<16xf32> to vector<1x16xf32>
      tpu.vector_store %arg9[%swap3A_77, %swap3A_78], %swap3A_81 {strides = array<i32>} : memref<80x144xf32, #tpu.memory_space<vmem>>, vector<1x16xf32>,
      %swap3A_82 = arith.index_cast %scan3A_46 : i32 to index
      %swap3A_83 = arith.constant 112 : index
      %swap3A_84 = tpu.vector_load %arg9[%swap3A_82, %swap3A_83] {strides = array<i32>} : memref<80x144xf32, #tpu.memory_space<vmem>>, vector<1x16xf32>,
      %swap3A_85 = vector.shape_cast %swap3A_84 : vector<1x16xf32> to vector<16xf32>
      %swap3A_86 = vector.shape_cast %broadcast_in_dim3A_6 : vector<16xf32> to vector<1x16xf32>
      tpu.vector_store %arg9[%swap3A_82, %swap3A_83], %swap3A_86 {strides = array<i32>} : memref<80x144xf32, #tpu.memory_space<vmem>>, vector<1x16xf32>,
      %swap3A_87 = arith.index_cast %scan3A_46 : i32 to index
      %swap3A_88 = arith.constant 128 : index
      %swap3A_89 = tpu.vector_load %arg9[%swap3A_87, %swap3A_88] {strides = array<i32>} : memref<80x144xf32, #tpu.memory_space<vmem>>, vector<1x16xf32>,
      %swap3A_90 = vector.shape_cast %swap3A_89 : vector<1x16xf32> to vector<16xf32>
      %swap3A_91 = vector.shape_cast %broadcast_in_dim3A_6 : vector<16xf32> to vector<1x16xf32>
      tpu.vector_store %arg9[%swap3A_87, %swap3A_88], %swap3A_91 {strides = array<i32>} : memref<80x144xf32, #tpu.memory_space<vmem>>, vector<1x16xf32>,
    }
    %scan3A_11 = arith.constant 80 : i32
    %while3A = arith.constant 0 : i32
    %while3A_12 = arith.constant 0 : i32
    %while3A_13 = arith.subi %select_n3A_5, %while3A_12 : i32
    %while3A_14 = arith.addi %while3A_12, %while3A_13 : i32
    %while3A_15 = arith.constant 1 : i32
    %while3A_16 = arith.divsi %while3A_13, %while3A_15 : i32
    %while3A_17 = arith.muli %while3A_16, %while3A_15 : i32
    %while3A_18 = arith.addi %while3A_12, %while3A_17 : i32
    %while3A_19 = arith.constant 1 : i32
    scf.for %while3A_46 = %while3A_12 to %while3A_18 step %while3A_19  : i32 {
      %mul3A_47 = arith.constant 80 : i32
      %mul3A_48 = arith.muli %while3A_46, %mul3A_47 : i32
      %add3A_49 = arith.addi %mul3A_2, %mul3A_48 : i32
      "tpu.region"() ({
        %run_scoped3A = tpu.sem_alloc : memref<!tpu.dma_semaphore, #tpu.memory_space<semaphore_mem>>
        %dma_start3A = arith.constant 0 : i32
        %dma_start3A_50 = tpu.memref_slice %arg6[%add3A_49, %dma_start3A] : memref<10000x144xf32, #tpu.memory_space<vmem_shared>> -> memref<80x144xf32, #tpu.memory_space<vmem_shared>>
        %dma_start3A_51 = arith.constant 0 : i32
        %dma_start3A_52 = tpu.memref_slice %arg6[%add3A_49, %dma_start3A_51] : memref<10000x144xf32, #tpu.memory_space<vmem_shared>> -> memref<80x144xf32, #tpu.memory_space<vmem_shared>>
        tpu.enqueue_dma source(%arg9 : memref<80x144xf32, #tpu.memory_space<vmem>>) target(%dma_start3A_52 : memref<80x144xf32, #tpu.memory_space<vmem_shared>>) target_semaphore(%run_scoped3A : memref<!tpu.dma_semaphore, #tpu.memory_space<semaphore_mem>>)
        %dma_wait3A = arith.constant 0 : i32
        %dma_wait3A_53 = tpu.memref_slice %arg6[%add3A_49, %dma_wait3A] : memref<10000x144xf32, #tpu.memory_space<vmem_shared>> -> memref<80x144xf32, #tpu.memory_space<vmem_shared>>
        %dma_wait3A_54 = arith.constant 0 : i32
        %dma_wait3A_55 = tpu.memref_slice %arg6[%add3A_49, %dma_wait3A_54] : memref<10000x144xf32, #tpu.memory_space<vmem_shared>> -> memref<80x144xf32, #tpu.memory_space<vmem_shared>>
        tpu.wait_dma2 semaphore(%run_scoped3A : memref<!tpu.dma_semaphore, #tpu.memory_space<semaphore_mem>>) src(%arg9 : memref<80x144xf32, #tpu.memory_space<vmem>>) dst(%dma_wait3A_55 : memref<80x144xf32, #tpu.memory_space<vmem_shared>>)
        tpu.yield
      }) : () -> ()
    }
    %while3A_20 = arith.constant 1 : i32
    scf.for %while3A_46 = %while3A_18 to %while3A_14 step %while3A_20  : i32 {
      %mul3A_47 = arith.constant 80 : i32
      %mul3A_48 = arith.muli %while3A_46, %mul3A_47 : i32
      %add3A_49 = arith.addi %mul3A_2, %mul3A_48 : i32
      "tpu.region"() ({
        %run_scoped3A = tpu.sem_alloc : memref<!tpu.dma_semaphore, #tpu.memory_space<semaphore_mem>>
        %dma_start3A = arith.constant 0 : i32
        %dma_start3A_50 = tpu.memref_slice %arg6[%add3A_49, %dma_start3A] : memref<10000x144xf32, #tpu.memory_space<vmem_shared>> -> memref<80x144xf32, #tpu.memory_space<vmem_shared>>
        %dma_start3A_51 = arith.constant 0 : i32
        %dma_start3A_52 = tpu.memref_slice %arg6[%add3A_49, %dma_start3A_51] : memref<10000x144xf32, #tpu.memory_space<vmem_shared>> -> memref<80x144xf32, #tpu.memory_space<vmem_shared>>
        tpu.enqueue_dma source(%arg9 : memref<80x144xf32, #tpu.memory_space<vmem>>) target(%dma_start3A_52 : memref<80x144xf32, #tpu.memory_space<vmem_shared>>) target_semaphore(%run_scoped3A : memref<!tpu.dma_semaphore, #tpu.memory_space<semaphore_mem>>)
        %dma_wait3A = arith.constant 0 : i32
        %dma_wait3A_53 = tpu.memref_slice %arg6[%add3A_49, %dma_wait3A] : memref<10000x144xf32, #tpu.memory_space<vmem_shared>> -> memref<80x144xf32, #tpu.memory_space<vmem_shared>>
        %dma_wait3A_54 = arith.constant 0 : i32
        %dma_wait3A_55 = tpu.memref_slice %arg6[%add3A_49, %dma_wait3A_54] : memref<10000x144xf32, #tpu.memory_space<vmem_shared>> -> memref<80x144xf32, #tpu.memory_space<vmem_shared>>
        tpu.wait_dma2 semaphore(%run_scoped3A : memref<!tpu.dma_semaphore, #tpu.memory_space<semaphore_mem>>) src(%arg9 : memref<80x144xf32, #tpu.memory_space<vmem>>) dst(%dma_wait3A_55 : memref<80x144xf32, #tpu.memory_space<vmem_shared>>)
        tpu.yield
      }) : () -> ()
    }
    %barrier3A = arith.constant 0 : index
    tpu.barrier barrier_id(%barrier3A)
    %scan3A_21 = arith.constant 0 : i32
    %scan3A_22 = arith.constant 0 : i32
    %scan3A_23 = arith.constant 125 : i32
    %scan3A_24 = arith.addi %scan3A_22, %scan3A_23 : i32
    %scan3A_25 = arith.constant 1 : i32
    scf.for %scan3A_46 = %scan3A_22 to %scan3A_24 step %scan3A_25  : i32 {
      "tpu.region"() ({
        %run_scoped3A_59 = tpu.sem_alloc : memref<!tpu.dma_semaphore, #tpu.memory_space<semaphore_mem>>
        %dma_start3A_60 = arith.constant 0 : i32
        %dma_start3A_61 = arith.constant 0 : i32
        %dma_start3A_62 = tpu.memref_slice %arg4[%add3A, %scan3A_46, %dma_start3A_60, %dma_start3A_61] : memref<32x125x2x80xi32, #tpu.memory_space<hbm>> -> memref<1x1x2x80xi32, #tpu.memory_space<hbm>>
        %dma_start3A_63 = tpu.memref_squeeze %dma_start3A_62 : memref<1x1x2x80xi32, #tpu.memory_space<hbm>> -> memref<2x80xi32, #tpu.memory_space<hbm>>
        %dma_start3A_64 = arith.constant 0 : i32
        %dma_start3A_65 = arith.constant 0 : i32
        %dma_start3A_66 = tpu.memref_slice %arg4[%add3A, %scan3A_46, %dma_start3A_64, %dma_start3A_65] : memref<32x125x2x80xi32, #tpu.memory_space<hbm>> -> memref<1x1x2x80xi32, #tpu.memory_space<hbm>>
        %dma_start3A_67 = tpu.memref_squeeze %dma_start3A_66 : memref<1x1x2x80xi32, #tpu.memory_space<hbm>> -> memref<2x80xi32, #tpu.memory_space<hbm>>
        tpu.enqueue_dma source(%dma_start3A_67 : memref<2x80xi32, #tpu.memory_space<hbm>>) target(%arg7 : memref<2x80xi32, #tpu.memory_space<vmem>>) target_semaphore(%run_scoped3A_59 : memref<!tpu.dma_semaphore, #tpu.memory_space<semaphore_mem>>)
        %dma_wait3A_68 = arith.constant 0 : i32
        %dma_wait3A_69 = arith.constant 0 : i32
        %dma_wait3A_70 = tpu.memref_slice %arg4[%add3A, %scan3A_46, %dma_wait3A_68, %dma_wait3A_69] : memref<32x125x2x80xi32, #tpu.memory_space<hbm>> -> memref<1x1x2x80xi32, #tpu.memory_space<hbm>>
        %dma_wait3A_71 = tpu.memref_squeeze %dma_wait3A_70 : memref<1x1x2x80xi32, #tpu.memory_space<hbm>> -> memref<2x80xi32, #tpu.memory_space<hbm>>
        %dma_wait3A_72 = arith.constant 0 : i32
        %dma_wait3A_73 = arith.constant 0 : i32
        %dma_wait3A_74 = tpu.memref_slice %arg4[%add3A, %scan3A_46, %dma_wait3A_72, %dma_wait3A_73] : memref<32x125x2x80xi32, #tpu.memory_space<hbm>> -> memref<1x1x2x80xi32, #tpu.memory_space<hbm>>
        %dma_wait3A_75 = tpu.memref_squeeze %dma_wait3A_74 : memref<1x1x2x80xi32, #tpu.memory_space<hbm>> -> memref<2x80xi32, #tpu.memory_space<hbm>>
        tpu.wait_dma2 semaphore(%run_scoped3A_59 : memref<!tpu.dma_semaphore, #tpu.memory_space<semaphore_mem>>) src(%dma_wait3A_75 : memref<2x80xi32, #tpu.memory_space<hbm>>) dst(%arg7 : memref<2x80xi32, #tpu.memory_space<vmem>>)
        tpu.yield
      }) : () -> ()
      %dma_start3A = arith.constant 0 : i32
      %dma_start3A_47 = arith.constant 0 : i32
      %dma_start3A_48 = tpu.memref_slice %arg7[%dma_start3A, %dma_start3A_47] : memref<2x80xi32, #tpu.memory_space<vmem>> -> memref<1x80xi32, #tpu.memory_space<vmem>>
      %dma_start3A_49 = tpu.memref_squeeze %dma_start3A_48 : memref<1x80xi32, #tpu.memory_space<vmem>> -> memref<80xi32, #tpu.memory_space<vmem>>
      %dma_start3A_50 = arith.constant 0 : i32
      %dma_start3A_51 = arith.constant 0 : i32
      %dma_start3A_52 = tpu.memref_slice %arg2[%dma_start3A_50, %dma_start3A_51] : memref<10000x144xf32, #tpu.memory_space<hbm>> -> memref<10000x144xf32, #tpu.memory_space<hbm>>
      tpu.enqueue_indirect_dma source(%dma_start3A_52 : memref<10000x144xf32, #tpu.memory_space<hbm>>) target(%arg8 : memref<80x144xf32, #tpu.memory_space<vmem>>) offsets(%dma_start3A_49 : memref<80xi32, #tpu.memory_space<vmem>>) semaphore(%arg12 : memref<!tpu.dma_semaphore, #tpu.memory_space<semaphore_mem>>)
      %dma_wait3A = arith.constant 0 : i32
      %dma_wait3A_53 = arith.constant 0 : i32
      %dma_wait3A_54 = tpu.memref_slice %arg7[%dma_wait3A, %dma_wait3A_53] : memref<2x80xi32, #tpu.memory_space<vmem>> -> memref<1x80xi32, #tpu.memory_space<vmem>>
      %dma_wait3A_55 = tpu.memref_squeeze %dma_wait3A_54 : memref<1x80xi32, #tpu.memory_space<vmem>> -> memref<80xi32, #tpu.memory_space<vmem>>
      %dma_wait3A_56 = arith.constant 0 : i32
      %dma_wait3A_57 = arith.constant 0 : i32
      %dma_wait3A_58 = tpu.memref_slice %arg2[%dma_wait3A_56, %dma_wait3A_57] : memref<10000x144xf32, #tpu.memory_space<hbm>> -> memref<10000x144xf32, #tpu.memory_space<hbm>>
      tpu.wait_indirect_dma semaphore(%arg12 : memref<!tpu.dma_semaphore, #tpu.memory_space<semaphore_mem>>) src(%dma_wait3A_58 : memref<10000x144xf32, #tpu.memory_space<hbm>>) dst(%arg8 : memref<80x144xf32, #tpu.memory_space<vmem>>)
      %run_scoped3A = arith.constant 1 : i32
      "tpu.region"() ({
        %run_scoped3A_59 = tpu.sem_alloc : memref<!tpu.dma_semaphore, #tpu.memory_space<semaphore_mem>>
        %dma_start3A_60 = arith.constant 0 : i32
        %dma_start3A_61 = tpu.memref_slice %arg7[%run_scoped3A, %dma_start3A_60] : memref<2x80xi32, #tpu.memory_space<vmem>> -> memref<1x80xi32, #tpu.memory_space<vmem>>
        %dma_start3A_62 = tpu.memref_squeeze %dma_start3A_61 : memref<1x80xi32, #tpu.memory_space<vmem>> -> memref<80xi32, #tpu.memory_space<vmem>>
        %dma_start3A_63 = arith.constant 0 : i32
        %dma_start3A_64 = arith.constant 0 : i32
        %dma_start3A_65 = tpu.memref_slice %arg6[%dma_start3A_63, %dma_start3A_64] : memref<10000x144xf32, #tpu.memory_space<vmem_shared>> -> memref<10000x144xf32, #tpu.memory_space<vmem_shared>>
        tpu.enqueue_indirect_dma source(%arg8 : memref<80x144xf32, #tpu.memory_space<vmem>>) target(%dma_start3A_65 : memref<10000x144xf32, #tpu.memory_space<vmem_shared>>) offsets(%dma_start3A_62 : memref<80xi32, #tpu.memory_space<vmem>>) semaphore(%run_scoped3A_59 : memref<!tpu.dma_semaphore, #tpu.memory_space<semaphore_mem>>) {add = true}
        %dma_wait3A_66 = arith.constant 0 : i32
        %dma_wait3A_67 = tpu.memref_slice %arg7[%run_scoped3A, %dma_wait3A_66] : memref<2x80xi32, #tpu.memory_space<vmem>> -> memref<1x80xi32, #tpu.memory_space<vmem>>
        %dma_wait3A_68 = tpu.memref_squeeze %dma_wait3A_67 : memref<1x80xi32, #tpu.memory_space<vmem>> -> memref<80xi32, #tpu.memory_space<vmem>>
        %dma_wait3A_69 = arith.constant 0 : i32
        %dma_wait3A_70 = arith.constant 0 : i32
        %dma_wait3A_71 = tpu.memref_slice %arg6[%dma_wait3A_69, %dma_wait3A_70] : memref<10000x144xf32, #tpu.memory_space<vmem_shared>> -> memref<10000x144xf32, #tpu.memory_space<vmem_shared>>
        tpu.wait_indirect_dma semaphore(%run_scoped3A_59 : memref<!tpu.dma_semaphore, #tpu.memory_space<semaphore_mem>>) src(%arg8 : memref<80x144xf32, #tpu.memory_space<vmem>>) dst(%dma_wait3A_71 : memref<10000x144xf32, #tpu.memory_space<vmem_shared>>)
        tpu.yield
      }) : () -> ()
    }
    %scan3A_26 = arith.constant 125 : i32
    %barrier3A_27 = arith.constant 0 : index
    tpu.barrier barrier_id(%barrier3A_27)
    %broadcast_in_dim3A_28 = arith.constant 0.000000e+00 : f32
    %broadcast_in_dim3A_29 = vector.broadcast %broadcast_in_dim3A_28 : f32 to vector<16xf32>
    %while3A_30 = arith.constant 0 : i32
    %while3A_31 = arith.subi %select_n3A_5, %while3A_30 : i32
    %while3A_32 = arith.addi %while3A_30, %while3A_31 : i32
    %while3A_33 = arith.constant 1 : i32
    %while3A_34 = arith.divsi %while3A_31, %while3A_33 : i32
    %while3A_35 = arith.muli %while3A_34, %while3A_33 : i32
    %while3A_36 = arith.addi %while3A_30, %while3A_35 : i32
    %while3A_37 = arith.constant 1 : i32
    %while3A_38 = scf.for %while3A_46 = %while3A_30 to %while3A_36 step %while3A_37 iter_args(%while3A_47 = %broadcast_in_dim3A_29) -> (vector<16xf32>)  : i32 {
      %mul3A_48 = arith.constant 80 : i32
      %mul3A_49 = arith.muli %while3A_46, %mul3A_48 : i32
      %add3A_50 = arith.addi %mul3A_2, %mul3A_49 : i32
      "tpu.region"() ({
        %run_scoped3A = tpu.sem_alloc : memref<!tpu.dma_semaphore, #tpu.memory_space<semaphore_mem>>
        %dma_start3A = arith.constant 0 : i32
        %dma_start3A_57 = tpu.memref_slice %arg6[%add3A_50, %dma_start3A] : memref<10000x144xf32, #tpu.memory_space<vmem_shared>> -> memref<80x144xf32, #tpu.memory_space<vmem_shared>>
        %dma_start3A_58 = arith.constant 0 : i32
        %dma_start3A_59 = tpu.memref_slice %arg6[%add3A_50, %dma_start3A_58] : memref<10000x144xf32, #tpu.memory_space<vmem_shared>> -> memref<80x144xf32, #tpu.memory_space<vmem_shared>>
        tpu.enqueue_dma source(%dma_start3A_59 : memref<80x144xf32, #tpu.memory_space<vmem_shared>>) target(%arg9 : memref<80x144xf32, #tpu.memory_space<vmem>>) target_semaphore(%run_scoped3A : memref<!tpu.dma_semaphore, #tpu.memory_space<semaphore_mem>>)
        %dma_wait3A = arith.constant 0 : i32
        %dma_wait3A_60 = tpu.memref_slice %arg6[%add3A_50, %dma_wait3A] : memref<10000x144xf32, #tpu.memory_space<vmem_shared>> -> memref<80x144xf32, #tpu.memory_space<vmem_shared>>
        %dma_wait3A_61 = arith.constant 0 : i32
        %dma_wait3A_62 = tpu.memref_slice %arg6[%add3A_50, %dma_wait3A_61] : memref<10000x144xf32, #tpu.memory_space<vmem_shared>> -> memref<80x144xf32, #tpu.memory_space<vmem_shared>>
        tpu.wait_dma2 semaphore(%run_scoped3A : memref<!tpu.dma_semaphore, #tpu.memory_space<semaphore_mem>>) src(%dma_wait3A_62 : memref<80x144xf32, #tpu.memory_space<vmem_shared>>) dst(%arg9 : memref<80x144xf32, #tpu.memory_space<vmem>>)
        tpu.yield
      }) : () -> ()
      "tpu.region"() ({
        %run_scoped3A = tpu.sem_alloc : memref<!tpu.dma_semaphore, #tpu.memory_space<semaphore_mem>>
        %dma_start3A = arith.constant 0 : i32
        %dma_start3A_57 = tpu.memref_slice %arg3[%add3A_50, %dma_start3A] : memref<10000x144xf32, #tpu.memory_space<hbm>> -> memref<80x144xf32, #tpu.memory_space<hbm>>
        %dma_start3A_58 = arith.constant 0 : i32
        %dma_start3A_59 = tpu.memref_slice %arg3[%add3A_50, %dma_start3A_58] : memref<10000x144xf32, #tpu.memory_space<hbm>> -> memref<80x144xf32, #tpu.memory_space<hbm>>
        tpu.enqueue_dma source(%dma_start3A_59 : memref<80x144xf32, #tpu.memory_space<hbm>>) target(%arg10 : memref<80x144xf32, #tpu.memory_space<vmem>>) target_semaphore(%run_scoped3A : memref<!tpu.dma_semaphore, #tpu.memory_space<semaphore_mem>>)
        %dma_wait3A = arith.constant 0 : i32
        %dma_wait3A_60 = tpu.memref_slice %arg3[%add3A_50, %dma_wait3A] : memref<10000x144xf32, #tpu.memory_space<hbm>> -> memref<80x144xf32, #tpu.memory_space<hbm>>
        %dma_wait3A_61 = arith.constant 0 : i32
        %dma_wait3A_62 = tpu.memref_slice %arg3[%add3A_50, %dma_wait3A_61] : memref<10000x144xf32, #tpu.memory_space<hbm>> -> memref<80x144xf32, #tpu.memory_space<hbm>>
        tpu.wait_dma2 semaphore(%run_scoped3A : memref<!tpu.dma_semaphore, #tpu.memory_space<semaphore_mem>>) src(%dma_wait3A_62 : memref<80x144xf32, #tpu.memory_space<hbm>>) dst(%arg10 : memref<80x144xf32, #tpu.memory_space<vmem>>)
        tpu.yield
      }) : () -> ()
      %scan3A_51 = arith.constant 0 : i32
      %scan3A_52 = arith.constant 80 : i32
      %scan3A_53 = arith.addi %scan3A_51, %scan3A_52 : i32
      %scan3A_54 = arith.constant 1 : i32
      %scan3A_55 = scf.for %scan3A_57 = %scan3A_51 to %scan3A_53 step %scan3A_54 iter_args(%scan3A_58 = %while3A_47) -> (vector<16xf32>)  : i32 {
        %get3A = arith.index_cast %scan3A_57 : i32 to index
        %get3A_59 = arith.constant 0 : index
        %get3A_60 = tpu.vector_load %arg9[%get3A, %get3A_59] {strides = array<i32>} : memref<80x144xf32, #tpu.memory_space<vmem>>, vector<1x16xf32>,
        %get3A_61 = vector.shape_cast %get3A_60 : vector<1x16xf32> to vector<16xf32>
        %get3A_62 = arith.index_cast %scan3A_57 : i32 to index
        %get3A_63 = arith.constant 0 : index
        %get3A_64 = tpu.vector_load %arg10[%get3A_62, %get3A_63] {strides = array<i32>} : memref<80x144xf32, #tpu.memory_space<vmem>>, vector<1x16xf32>,
        %get3A_65 = vector.shape_cast %get3A_64 : vector<1x16xf32> to vector<16xf32>
        %mul3A_66 = arith.mulf %get3A_61, %get3A_65 : vector<16xf32>
        %add3A_67 = arith.addf %scan3A_58, %mul3A_66 : vector<16xf32>
        %get3A_68 = arith.index_cast %scan3A_57 : i32 to index
        %get3A_69 = arith.constant 16 : index
        %get3A_70 = tpu.vector_load %arg9[%get3A_68, %get3A_69] {strides = array<i32>} : memref<80x144xf32, #tpu.memory_space<vmem>>, vector<1x16xf32>,
        %get3A_71 = vector.shape_cast %get3A_70 : vector<1x16xf32> to vector<16xf32>
        %get3A_72 = arith.index_cast %scan3A_57 : i32 to index
        %get3A_73 = arith.constant 16 : index
        %get3A_74 = tpu.vector_load %arg10[%get3A_72, %get3A_73] {strides = array<i32>} : memref<80x144xf32, #tpu.memory_space<vmem>>, vector<1x16xf32>,
        %get3A_75 = vector.shape_cast %get3A_74 : vector<1x16xf32> to vector<16xf32>
        %mul3A_76 = arith.mulf %get3A_71, %get3A_75 : vector<16xf32>
        %add3A_77 = arith.addf %add3A_67, %mul3A_76 : vector<16xf32>
        %get3A_78 = arith.index_cast %scan3A_57 : i32 to index
        %get3A_79 = arith.constant 32 : index
        %get3A_80 = tpu.vector_load %arg9[%get3A_78, %get3A_79] {strides = array<i32>} : memref<80x144xf32, #tpu.memory_space<vmem>>, vector<1x16xf32>,
        %get3A_81 = vector.shape_cast %get3A_80 : vector<1x16xf32> to vector<16xf32>
        %get3A_82 = arith.index_cast %scan3A_57 : i32 to index
        %get3A_83 = arith.constant 32 : index
        %get3A_84 = tpu.vector_load %arg10[%get3A_82, %get3A_83] {strides = array<i32>} : memref<80x144xf32, #tpu.memory_space<vmem>>, vector<1x16xf32>,
        %get3A_85 = vector.shape_cast %get3A_84 : vector<1x16xf32> to vector<16xf32>
        %mul3A_86 = arith.mulf %get3A_81, %get3A_85 : vector<16xf32>
        %add3A_87 = arith.addf %add3A_77, %mul3A_86 : vector<16xf32>
        %get3A_88 = arith.index_cast %scan3A_57 : i32 to index
        %get3A_89 = arith.constant 48 : index
        %get3A_90 = tpu.vector_load %arg9[%get3A_88, %get3A_89] {strides = array<i32>} : memref<80x144xf32, #tpu.memory_space<vmem>>, vector<1x16xf32>,
        %get3A_91 = vector.shape_cast %get3A_90 : vector<1x16xf32> to vector<16xf32>
        %get3A_92 = arith.index_cast %scan3A_57 : i32 to index
        %get3A_93 = arith.constant 48 : index
        %get3A_94 = tpu.vector_load %arg10[%get3A_92, %get3A_93] {strides = array<i32>} : memref<80x144xf32, #tpu.memory_space<vmem>>, vector<1x16xf32>,
        %get3A_95 = vector.shape_cast %get3A_94 : vector<1x16xf32> to vector<16xf32>
        %mul3A_96 = arith.mulf %get3A_91, %get3A_95 : vector<16xf32>
        %add3A_97 = arith.addf %add3A_87, %mul3A_96 : vector<16xf32>
        %get3A_98 = arith.index_cast %scan3A_57 : i32 to index
        %get3A_99 = arith.constant 64 : index
        %get3A_100 = tpu.vector_load %arg9[%get3A_98, %get3A_99] {strides = array<i32>} : memref<80x144xf32, #tpu.memory_space<vmem>>, vector<1x16xf32>,
        %get3A_101 = vector.shape_cast %get3A_100 : vector<1x16xf32> to vector<16xf32>
        %get3A_102 = arith.index_cast %scan3A_57 : i32 to index
        %get3A_103 = arith.constant 64 : index
        %get3A_104 = tpu.vector_load %arg10[%get3A_102, %get3A_103] {strides = array<i32>} : memref<80x144xf32, #tpu.memory_space<vmem>>, vector<1x16xf32>,
        %get3A_105 = vector.shape_cast %get3A_104 : vector<1x16xf32> to vector<16xf32>
        %mul3A_106 = arith.mulf %get3A_101, %get3A_105 : vector<16xf32>
        %add3A_107 = arith.addf %add3A_97, %mul3A_106 : vector<16xf32>
        %get3A_108 = arith.index_cast %scan3A_57 : i32 to index
        %get3A_109 = arith.constant 80 : index
        %get3A_110 = tpu.vector_load %arg9[%get3A_108, %get3A_109] {strides = array<i32>} : memref<80x144xf32, #tpu.memory_space<vmem>>, vector<1x16xf32>,
        %get3A_111 = vector.shape_cast %get3A_110 : vector<1x16xf32> to vector<16xf32>
        %get3A_112 = arith.index_cast %scan3A_57 : i32 to index
        %get3A_113 = arith.constant 80 : index
        %get3A_114 = tpu.vector_load %arg10[%get3A_112, %get3A_113] {strides = array<i32>} : memref<80x144xf32, #tpu.memory_space<vmem>>, vector<1x16xf32>,
        %get3A_115 = vector.shape_cast %get3A_114 : vector<1x16xf32> to vector<16xf32>
        %mul3A_116 = arith.mulf %get3A_111, %get3A_115 : vector<16xf32>
        %add3A_117 = arith.addf %add3A_107, %mul3A_116 : vector<16xf32>
        %get3A_118 = arith.index_cast %scan3A_57 : i32 to index
        %get3A_119 = arith.constant 96 : index
        %get3A_120 = tpu.vector_load %arg9[%get3A_118, %get3A_119] {strides = array<i32>} : memref<80x144xf32, #tpu.memory_space<vmem>>, vector<1x16xf32>,
        %get3A_121 = vector.shape_cast %get3A_120 : vector<1x16xf32> to vector<16xf32>
        %get3A_122 = arith.index_cast %scan3A_57 : i32 to index
        %get3A_123 = arith.constant 96 : index
        %get3A_124 = tpu.vector_load %arg10[%get3A_122, %get3A_123] {strides = array<i32>} : memref<80x144xf32, #tpu.memory_space<vmem>>, vector<1x16xf32>,
        %get3A_125 = vector.shape_cast %get3A_124 : vector<1x16xf32> to vector<16xf32>
        %mul3A_126 = arith.mulf %get3A_121, %get3A_125 : vector<16xf32>
        %add3A_127 = arith.addf %add3A_117, %mul3A_126 : vector<16xf32>
        %get3A_128 = arith.index_cast %scan3A_57 : i32 to index
        %get3A_129 = arith.constant 112 : index
        %get3A_130 = tpu.vector_load %arg9[%get3A_128, %get3A_129] {strides = array<i32>} : memref<80x144xf32, #tpu.memory_space<vmem>>, vector<1x16xf32>,
        %get3A_131 = vector.shape_cast %get3A_130 : vector<1x16xf32> to vector<16xf32>
        %get3A_132 = arith.index_cast %scan3A_57 : i32 to index
        %get3A_133 = arith.constant 112 : index
        %get3A_134 = tpu.vector_load %arg10[%get3A_132, %get3A_133] {strides = array<i32>} : memref<80x144xf32, #tpu.memory_space<vmem>>, vector<1x16xf32>,
        %get3A_135 = vector.shape_cast %get3A_134 : vector<1x16xf32> to vector<16xf32>
        %mul3A_136 = arith.mulf %get3A_131, %get3A_135 : vector<16xf32>
        %add3A_137 = arith.addf %add3A_127, %mul3A_136 : vector<16xf32>
        %get3A_138 = arith.index_cast %scan3A_57 : i32 to index
        %get3A_139 = arith.constant 128 : index
        %get3A_140 = tpu.vector_load %arg9[%get3A_138, %get3A_139] {strides = array<i32>} : memref<80x144xf32, #tpu.memory_space<vmem>>, vector<1x16xf32>,
        %get3A_141 = vector.shape_cast %get3A_140 : vector<1x16xf32> to vector<16xf32>
        %get3A_142 = arith.index_cast %scan3A_57 : i32 to index
        %get3A_143 = arith.constant 128 : index
        %get3A_144 = tpu.vector_load %arg10[%get3A_142, %get3A_143] {strides = array<i32>} : memref<80x144xf32, #tpu.memory_space<vmem>>, vector<1x16xf32>,
        %get3A_145 = vector.shape_cast %get3A_144 : vector<1x16xf32> to vector<16xf32>
        %mul3A_146 = arith.mulf %get3A_141, %get3A_145 : vector<16xf32>
        %add3A_147 = arith.addf %add3A_137, %mul3A_146 : vector<16xf32>
        scf.yield %add3A_147 : vector<16xf32>
      }
      %scan3A_56 = arith.constant 80 : i32
      scf.yield %scan3A_55 : vector<16xf32>
    }
    %while3A_39 = arith.constant 1 : i32
    %while3A_40 = scf.for %while3A_46 = %while3A_36 to %while3A_32 step %while3A_39 iter_args(%while3A_47 = %while3A_38) -> (vector<16xf32>)  : i32 {
      %mul3A_48 = arith.constant 80 : i32
      %mul3A_49 = arith.muli %while3A_46, %mul3A_48 : i32
      %add3A_50 = arith.addi %mul3A_2, %mul3A_49 : i32
      "tpu.region"() ({
        %run_scoped3A = tpu.sem_alloc : memref<!tpu.dma_semaphore, #tpu.memory_space<semaphore_mem>>
        %dma_start3A = arith.constant 0 : i32
        %dma_start3A_57 = tpu.memref_slice %arg6[%add3A_50, %dma_start3A] : memref<10000x144xf32, #tpu.memory_space<vmem_shared>> -> memref<80x144xf32, #tpu.memory_space<vmem_shared>>
        %dma_start3A_58 = arith.constant 0 : i32
        %dma_start3A_59 = tpu.memref_slice %arg6[%add3A_50, %dma_start3A_58] : memref<10000x144xf32, #tpu.memory_space<vmem_shared>> -> memref<80x144xf32, #tpu.memory_space<vmem_shared>>
        tpu.enqueue_dma source(%dma_start3A_59 : memref<80x144xf32, #tpu.memory_space<vmem_shared>>) target(%arg9 : memref<80x144xf32, #tpu.memory_space<vmem>>) target_semaphore(%run_scoped3A : memref<!tpu.dma_semaphore, #tpu.memory_space<semaphore_mem>>)
        %dma_wait3A = arith.constant 0 : i32
        %dma_wait3A_60 = tpu.memref_slice %arg6[%add3A_50, %dma_wait3A] : memref<10000x144xf32, #tpu.memory_space<vmem_shared>> -> memref<80x144xf32, #tpu.memory_space<vmem_shared>>
        %dma_wait3A_61 = arith.constant 0 : i32
        %dma_wait3A_62 = tpu.memref_slice %arg6[%add3A_50, %dma_wait3A_61] : memref<10000x144xf32, #tpu.memory_space<vmem_shared>> -> memref<80x144xf32, #tpu.memory_space<vmem_shared>>
        tpu.wait_dma2 semaphore(%run_scoped3A : memref<!tpu.dma_semaphore, #tpu.memory_space<semaphore_mem>>) src(%dma_wait3A_62 : memref<80x144xf32, #tpu.memory_space<vmem_shared>>) dst(%arg9 : memref<80x144xf32, #tpu.memory_space<vmem>>)
        tpu.yield
      }) : () -> ()
      "tpu.region"() ({
        %run_scoped3A = tpu.sem_alloc : memref<!tpu.dma_semaphore, #tpu.memory_space<semaphore_mem>>
        %dma_start3A = arith.constant 0 : i32
        %dma_start3A_57 = tpu.memref_slice %arg3[%add3A_50, %dma_start3A] : memref<10000x144xf32, #tpu.memory_space<hbm>> -> memref<80x144xf32, #tpu.memory_space<hbm>>
        %dma_start3A_58 = arith.constant 0 : i32
        %dma_start3A_59 = tpu.memref_slice %arg3[%add3A_50, %dma_start3A_58] : memref<10000x144xf32, #tpu.memory_space<hbm>> -> memref<80x144xf32, #tpu.memory_space<hbm>>
        tpu.enqueue_dma source(%dma_start3A_59 : memref<80x144xf32, #tpu.memory_space<hbm>>) target(%arg10 : memref<80x144xf32, #tpu.memory_space<vmem>>) target_semaphore(%run_scoped3A : memref<!tpu.dma_semaphore, #tpu.memory_space<semaphore_mem>>)
        %dma_wait3A = arith.constant 0 : i32
        %dma_wait3A_60 = tpu.memref_slice %arg3[%add3A_50, %dma_wait3A] : memref<10000x144xf32, #tpu.memory_space<hbm>> -> memref<80x144xf32, #tpu.memory_space<hbm>>
        %dma_wait3A_61 = arith.constant 0 : i32
        %dma_wait3A_62 = tpu.memref_slice %arg3[%add3A_50, %dma_wait3A_61] : memref<10000x144xf32, #tpu.memory_space<hbm>> -> memref<80x144xf32, #tpu.memory_space<hbm>>
        tpu.wait_dma2 semaphore(%run_scoped3A : memref<!tpu.dma_semaphore, #tpu.memory_space<semaphore_mem>>) src(%dma_wait3A_62 : memref<80x144xf32, #tpu.memory_space<hbm>>) dst(%arg10 : memref<80x144xf32, #tpu.memory_space<vmem>>)
        tpu.yield
      }) : () -> ()
      %scan3A_51 = arith.constant 0 : i32
      %scan3A_52 = arith.constant 80 : i32
      %scan3A_53 = arith.addi %scan3A_51, %scan3A_52 : i32
      %scan3A_54 = arith.constant 1 : i32
      %scan3A_55 = scf.for %scan3A_57 = %scan3A_51 to %scan3A_53 step %scan3A_54 iter_args(%scan3A_58 = %while3A_47) -> (vector<16xf32>)  : i32 {
        %get3A = arith.index_cast %scan3A_57 : i32 to index
        %get3A_59 = arith.constant 0 : index
        %get3A_60 = tpu.vector_load %arg9[%get3A, %get3A_59] {strides = array<i32>} : memref<80x144xf32, #tpu.memory_space<vmem>>, vector<1x16xf32>,
        %get3A_61 = vector.shape_cast %get3A_60 : vector<1x16xf32> to vector<16xf32>
        %get3A_62 = arith.index_cast %scan3A_57 : i32 to index
        %get3A_63 = arith.constant 0 : index
        %get3A_64 = tpu.vector_load %arg10[%get3A_62, %get3A_63] {strides = array<i32>} : memref<80x144xf32, #tpu.memory_space<vmem>>, vector<1x16xf32>,
        %get3A_65 = vector.shape_cast %get3A_64 : vector<1x16xf32> to vector<16xf32>
        %mul3A_66 = arith.mulf %get3A_61, %get3A_65 : vector<16xf32>
        %add3A_67 = arith.addf %scan3A_58, %mul3A_66 : vector<16xf32>
        %get3A_68 = arith.index_cast %scan3A_57 : i32 to index
        %get3A_69 = arith.constant 16 : index
        %get3A_70 = tpu.vector_load %arg9[%get3A_68, %get3A_69] {strides = array<i32>} : memref<80x144xf32, #tpu.memory_space<vmem>>, vector<1x16xf32>,
        %get3A_71 = vector.shape_cast %get3A_70 : vector<1x16xf32> to vector<16xf32>
        %get3A_72 = arith.index_cast %scan3A_57 : i32 to index
        %get3A_73 = arith.constant 16 : index
        %get3A_74 = tpu.vector_load %arg10[%get3A_72, %get3A_73] {strides = array<i32>} : memref<80x144xf32, #tpu.memory_space<vmem>>, vector<1x16xf32>,
        %get3A_75 = vector.shape_cast %get3A_74 : vector<1x16xf32> to vector<16xf32>
        %mul3A_76 = arith.mulf %get3A_71, %get3A_75 : vector<16xf32>
        %add3A_77 = arith.addf %add3A_67, %mul3A_76 : vector<16xf32>
        %get3A_78 = arith.index_cast %scan3A_57 : i32 to index
        %get3A_79 = arith.constant 32 : index
        %get3A_80 = tpu.vector_load %arg9[%get3A_78, %get3A_79] {strides = array<i32>} : memref<80x144xf32, #tpu.memory_space<vmem>>, vector<1x16xf32>,
        %get3A_81 = vector.shape_cast %get3A_80 : vector<1x16xf32> to vector<16xf32>
        %get3A_82 = arith.index_cast %scan3A_57 : i32 to index
        %get3A_83 = arith.constant 32 : index
        %get3A_84 = tpu.vector_load %arg10[%get3A_82, %get3A_83] {strides = array<i32>} : memref<80x144xf32, #tpu.memory_space<vmem>>, vector<1x16xf32>,
        %get3A_85 = vector.shape_cast %get3A_84 : vector<1x16xf32> to vector<16xf32>
        %mul3A_86 = arith.mulf %get3A_81, %get3A_85 : vector<16xf32>
        %add3A_87 = arith.addf %add3A_77, %mul3A_86 : vector<16xf32>
        %get3A_88 = arith.index_cast %scan3A_57 : i32 to index
        %get3A_89 = arith.constant 48 : index
        %get3A_90 = tpu.vector_load %arg9[%get3A_88, %get3A_89] {strides = array<i32>} : memref<80x144xf32, #tpu.memory_space<vmem>>, vector<1x16xf32>,
        %get3A_91 = vector.shape_cast %get3A_90 : vector<1x16xf32> to vector<16xf32>
        %get3A_92 = arith.index_cast %scan3A_57 : i32 to index
        %get3A_93 = arith.constant 48 : index
        %get3A_94 = tpu.vector_load %arg10[%get3A_92, %get3A_93] {strides = array<i32>} : memref<80x144xf32, #tpu.memory_space<vmem>>, vector<1x16xf32>,
        %get3A_95 = vector.shape_cast %get3A_94 : vector<1x16xf32> to vector<16xf32>
        %mul3A_96 = arith.mulf %get3A_91, %get3A_95 : vector<16xf32>
        %add3A_97 = arith.addf %add3A_87, %mul3A_96 : vector<16xf32>
        %get3A_98 = arith.index_cast %scan3A_57 : i32 to index
        %get3A_99 = arith.constant 64 : index
        %get3A_100 = tpu.vector_load %arg9[%get3A_98, %get3A_99] {strides = array<i32>} : memref<80x144xf32, #tpu.memory_space<vmem>>, vector<1x16xf32>,
        %get3A_101 = vector.shape_cast %get3A_100 : vector<1x16xf32> to vector<16xf32>
        %get3A_102 = arith.index_cast %scan3A_57 : i32 to index
        %get3A_103 = arith.constant 64 : index
        %get3A_104 = tpu.vector_load %arg10[%get3A_102, %get3A_103] {strides = array<i32>} : memref<80x144xf32, #tpu.memory_space<vmem>>, vector<1x16xf32>,
        %get3A_105 = vector.shape_cast %get3A_104 : vector<1x16xf32> to vector<16xf32>
        %mul3A_106 = arith.mulf %get3A_101, %get3A_105 : vector<16xf32>
        %add3A_107 = arith.addf %add3A_97, %mul3A_106 : vector<16xf32>
        %get3A_108 = arith.index_cast %scan3A_57 : i32 to index
        %get3A_109 = arith.constant 80 : index
        %get3A_110 = tpu.vector_load %arg9[%get3A_108, %get3A_109] {strides = array<i32>} : memref<80x144xf32, #tpu.memory_space<vmem>>, vector<1x16xf32>,
        %get3A_111 = vector.shape_cast %get3A_110 : vector<1x16xf32> to vector<16xf32>
        %get3A_112 = arith.index_cast %scan3A_57 : i32 to index
        %get3A_113 = arith.constant 80 : index
        %get3A_114 = tpu.vector_load %arg10[%get3A_112, %get3A_113] {strides = array<i32>} : memref<80x144xf32, #tpu.memory_space<vmem>>, vector<1x16xf32>,
        %get3A_115 = vector.shape_cast %get3A_114 : vector<1x16xf32> to vector<16xf32>
        %mul3A_116 = arith.mulf %get3A_111, %get3A_115 : vector<16xf32>
        %add3A_117 = arith.addf %add3A_107, %mul3A_116 : vector<16xf32>
        %get3A_118 = arith.index_cast %scan3A_57 : i32 to index
        %get3A_119 = arith.constant 96 : index
        %get3A_120 = tpu.vector_load %arg9[%get3A_118, %get3A_119] {strides = array<i32>} : memref<80x144xf32, #tpu.memory_space<vmem>>, vector<1x16xf32>,
        %get3A_121 = vector.shape_cast %get3A_120 : vector<1x16xf32> to vector<16xf32>
        %get3A_122 = arith.index_cast %scan3A_57 : i32 to index
        %get3A_123 = arith.constant 96 : index
        %get3A_124 = tpu.vector_load %arg10[%get3A_122, %get3A_123] {strides = array<i32>} : memref<80x144xf32, #tpu.memory_space<vmem>>, vector<1x16xf32>,
        %get3A_125 = vector.shape_cast %get3A_124 : vector<1x16xf32> to vector<16xf32>
        %mul3A_126 = arith.mulf %get3A_121, %get3A_125 : vector<16xf32>
        %add3A_127 = arith.addf %add3A_117, %mul3A_126 : vector<16xf32>
        %get3A_128 = arith.index_cast %scan3A_57 : i32 to index
        %get3A_129 = arith.constant 112 : index
        %get3A_130 = tpu.vector_load %arg9[%get3A_128, %get3A_129] {strides = array<i32>} : memref<80x144xf32, #tpu.memory_space<vmem>>, vector<1x16xf32>,
        %get3A_131 = vector.shape_cast %get3A_130 : vector<1x16xf32> to vector<16xf32>
        %get3A_132 = arith.index_cast %scan3A_57 : i32 to index
        %get3A_133 = arith.constant 112 : index
        %get3A_134 = tpu.vector_load %arg10[%get3A_132, %get3A_133] {strides = array<i32>} : memref<80x144xf32, #tpu.memory_space<vmem>>, vector<1x16xf32>,
        %get3A_135 = vector.shape_cast %get3A_134 : vector<1x16xf32> to vector<16xf32>
        %mul3A_136 = arith.mulf %get3A_131, %get3A_135 : vector<16xf32>
        %add3A_137 = arith.addf %add3A_127, %mul3A_136 : vector<16xf32>
        %get3A_138 = arith.index_cast %scan3A_57 : i32 to index
        %get3A_139 = arith.constant 128 : index
        %get3A_140 = tpu.vector_load %arg9[%get3A_138, %get3A_139] {strides = array<i32>} : memref<80x144xf32, #tpu.memory_space<vmem>>, vector<1x16xf32>,
        %get3A_141 = vector.shape_cast %get3A_140 : vector<1x16xf32> to vector<16xf32>
        %get3A_142 = arith.index_cast %scan3A_57 : i32 to index
        %get3A_143 = arith.constant 128 : index
        %get3A_144 = tpu.vector_load %arg10[%get3A_142, %get3A_143] {strides = array<i32>} : memref<80x144xf32, #tpu.memory_space<vmem>>, vector<1x16xf32>,
        %get3A_145 = vector.shape_cast %get3A_144 : vector<1x16xf32> to vector<16xf32>
        %mul3A_146 = arith.mulf %get3A_141, %get3A_145 : vector<16xf32>
        %add3A_147 = arith.addf %add3A_137, %mul3A_146 : vector<16xf32>
        scf.yield %add3A_147 : vector<16xf32>
      }
      %scan3A_56 = arith.constant 80 : i32
      scf.yield %scan3A_55 : vector<16xf32>
    }
    %swap3A = arith.constant 0 : index
    %swap3A_41 = tpu.vector_load %arg11[%swap3A] {strides = array<i32>} : memref<16xf32, #tpu.memory_space<vmem>>, vector<16xf32>,
    %swap3A_42 = vector.shape_cast %swap3A_41 : vector<16xf32> to vector<16xf32>
    %swap3A_43 = vector.shape_cast %while3A_40 : vector<16xf32> to vector<16xf32>
    tpu.vector_store %arg11[%swap3A], %swap3A_43 {strides = array<i32>} : memref<16xf32, #tpu.memory_space<vmem>>, vector<16xf32>,
    %mul3A_44 = arith.constant 16 : i32
    %mul3A_45 = arith.muli %add3A, %mul3A_44 : i32
    "tpu.region"() ({
      %run_scoped3A = tpu.sem_alloc : memref<!tpu.dma_semaphore, #tpu.memory_space<semaphore_mem>>
      %dma_start3A = tpu.memref_slice %arg5[%mul3A_45] : memref<512xf32, #tpu.memory_space<hbm>> -> memref<16xf32, #tpu.memory_space<hbm>>
      %dma_start3A_46 = tpu.memref_slice %arg5[%mul3A_45] : memref<512xf32, #tpu.memory_space<hbm>> -> memref<16xf32, #tpu.memory_space<hbm>>
      tpu.enqueue_dma source(%arg11 : memref<16xf32, #tpu.memory_space<vmem>>) target(%dma_start3A_46 : memref<16xf32, #tpu.memory_space<hbm>>) target_semaphore(%run_scoped3A : memref<!tpu.dma_semaphore, #tpu.memory_space<semaphore_mem>>)
      %dma_wait3A = tpu.memref_slice %arg5[%mul3A_45] : memref<512xf32, #tpu.memory_space<hbm>> -> memref<16xf32, #tpu.memory_space<hbm>>
      %dma_wait3A_47 = tpu.memref_slice %arg5[%mul3A_45] : memref<512xf32, #tpu.memory_space<hbm>> -> memref<16xf32, #tpu.memory_space<hbm>>
      tpu.wait_dma2 semaphore(%run_scoped3A : memref<!tpu.dma_semaphore, #tpu.memory_space<semaphore_mem>>) src(%arg11 : memref<16xf32, #tpu.memory_space<vmem>>) dst(%dma_wait3A_47 : memref<16xf32, #tpu.memory_space<hbm>>)
      tpu.yield
    }) : () -> ()
    return
  }
}

module attributes {stable_mosaic.version = 14 : i64} {
  func.func @_prep_body(%arg0: i32, %arg1: memref<1000x128xf32, #tpu.memory_space<vmem>>, %arg2: memref<1x128xf32, #tpu.memory_space<vmem>>, %arg3: memref<1x128xf32, #tpu.memory_space<vmem>>, %arg4: memref<1000x144xf32, #tpu.memory_space<vmem>>, %arg5: memref<1000x144xf32, #tpu.memory_space<vmem>>, %arg6: memref<1x1xf32, #tpu.memory_space<vmem>>) attributes {dimension_semantics = [#tpu.dimension_semantics<arbitrary>], iteration_bounds = array<i64: 10>, scalar_prefetch = 0 : i64, scratch_operands = 0 : i64, tpu.core_type = #tpu.core_type<tc>, window_params = [{transform_indices = @transform_0, window_bounds = array<i64: 1000, 128>}, {pipeline_mode = #tpu.pipeline_mode<synchronous>, transform_indices = @transform_1, window_bounds = array<i64: 1, 128>}, {pipeline_mode = #tpu.pipeline_mode<synchronous>, transform_indices = @transform_2, window_bounds = array<i64: 1, 128>}, {transform_indices = @transform_3, window_bounds = array<i64: 1000, 144>}, {transform_indices = @transform_4, window_bounds = array<i64: 1000, 144>}, {pipeline_mode = #tpu.pipeline_mode<synchronous>, transform_indices = @transform_5, window_bounds = array<i64: 1, 1>}]} {
    %get3A = arith.constant 0 : index
    %get3A_0 = arith.constant 0 : index
    %get3A_1 = vector.load %arg1[%get3A, %get3A_0] : memref<1000x128xf32, #tpu.memory_space<vmem>>, vector<1000x128xf32>
    %get3A_2 = arith.constant 0 : index
    %get3A_3 = arith.constant 0 : index
    %get3A_4 = vector.load %arg2[%get3A_2, %get3A_3] : memref<1x128xf32, #tpu.memory_space<vmem>>, vector<1x128xf32>
    %get3A_5 = arith.constant 0 : index
    %get3A_6 = arith.constant 0 : index
    %get3A_7 = vector.load %arg3[%get3A_5, %get3A_6] : memref<1x128xf32, #tpu.memory_space<vmem>>, vector<1x128xf32>
    %mul3A = vector.broadcast %get3A_4 : vector<1x128xf32> to vector<1000x128xf32>
    %mul3A_8 = arith.mulf %get3A_1, %mul3A : vector<1000x128xf32>
    %mul3A_9 = arith.constant -2.000000e+00 : f32
    %mul3A_10 = vector.broadcast %mul3A_9 : f32 to vector<1000x128xf32>
    %mul3A_11 = arith.mulf %mul3A_8, %mul3A_10 : vector<1000x128xf32>
    %mul3A_12 = arith.mulf %get3A_1, %get3A_1 : vector<1000x128xf32>
    %mul3A_13 = vector.broadcast %get3A_4 : vector<1x128xf32> to vector<1000x128xf32>
    %mul3A_14 = arith.mulf %mul3A_12, %mul3A_13 : vector<1000x128xf32>
    %reduce_sum3A = arith.constant dense<0.000000e+00> : vector<1000xf32>
    %reduce_sum3A_15 = vector.multi_reduction <add>, %mul3A_14, %reduce_sum3A [1] : vector<1000x128xf32> to vector<1000xf32>
    %broadcast_in_dim3A = vector.shape_cast %reduce_sum3A_15 : vector<1000xf32> to vector<1000x1xf32>
    %broadcast_in_dim3A_16 = arith.constant 1.000000e+00 : f32
    %broadcast_in_dim3A_17 = vector.broadcast %broadcast_in_dim3A_16 : f32 to vector<1000x1xf32>
    %broadcast_in_dim3A_18 = arith.constant 0.000000e+00 : f32
    %broadcast_in_dim3A_19 = vector.broadcast %broadcast_in_dim3A_18 : f32 to vector<1000x14xf32>
    %concatenate3A = tpu.concatenate %mul3A_11, %broadcast_in_dim3A_17, %broadcast_in_dim3A, %broadcast_in_dim3A_19 in 1 : vector<1000x128xf32>, vector<1000x1xf32>, vector<1000x1xf32>, vector<1000x14xf32> -> vector<1000x144xf32>
    %swap3A = arith.constant 0 : index
    %swap3A_20 = arith.constant 0 : index
    %swap3A_21 = vector.load %arg4[%swap3A, %swap3A_20] : memref<1000x144xf32, #tpu.memory_space<vmem>>, vector<1000x144xf32>
    tpu.vector_store %arg4[%swap3A, %swap3A_20], %concatenate3A {strides = array<i32>} : memref<1000x144xf32, #tpu.memory_space<vmem>>, vector<1000x144xf32>,
    %concatenate3A_22 = tpu.concatenate %get3A_1, %broadcast_in_dim3A, %broadcast_in_dim3A_17, %broadcast_in_dim3A_19 in 1 : vector<1000x128xf32>, vector<1000x1xf32>, vector<1000x1xf32>, vector<1000x14xf32> -> vector<1000x144xf32>
    %swap3A_23 = arith.constant 0 : index
    %swap3A_24 = arith.constant 0 : index
    %swap3A_25 = vector.load %arg5[%swap3A_23, %swap3A_24] : memref<1000x144xf32, #tpu.memory_space<vmem>>, vector<1000x144xf32>
    tpu.vector_store %arg5[%swap3A_23, %swap3A_24], %concatenate3A_22 {strides = array<i32>} : memref<1000x144xf32, #tpu.memory_space<vmem>>, vector<1000x144xf32>,
    %eq3A = arith.constant 0 : i32
    %eq3A_26 = arith.cmpi eq, %arg0, %eq3A : i32
    %convert_element_type3A = arith.extui %eq3A_26 : i1 to i32
    %cond3A = arith.constant 0 : i32
    %cond3A_27 = arith.cmpi ne, %convert_element_type3A, %cond3A : i32
    scf.if %cond3A_27 {
      %broadcast_in_dim3A_41 = arith.constant 0.000000e+00 : f32
      %broadcast_in_dim3A_42 = vector.broadcast %broadcast_in_dim3A_41 : f32 to vector<1x1xf32>
      %swap3A_43 = arith.constant 0 : index
      %swap3A_44 = arith.constant 0 : index
      %swap3A_45 = vector.load %arg6[%swap3A_43, %swap3A_44] : memref<1x1xf32, #tpu.memory_space<vmem>>, vector<1x1xf32>
      tpu.vector_store %arg6[%swap3A_43, %swap3A_44], %broadcast_in_dim3A_42 {strides = array<i32>} : memref<1x1xf32, #tpu.memory_space<vmem>>, vector<1x1xf32>,
    } else {
    }
    %get3A_28 = arith.constant 0 : index
    %get3A_29 = arith.constant 0 : index
    %get3A_30 = vector.load %arg6[%get3A_28, %get3A_29] : memref<1x1xf32, #tpu.memory_space<vmem>>, vector<1x1xf32>
    %mul3A_31 = vector.broadcast %get3A_7 : vector<1x128xf32> to vector<1000x128xf32>
    %mul3A_32 = arith.mulf %get3A_1, %mul3A_31 : vector<1000x128xf32>
    %reduce_sum3A_33 = vector.shape_cast %mul3A_32 : vector<1000x128xf32> to vector<1x1000x128xf32>
    %reduce_sum3A_34 = arith.constant dense<0.000000e+00> : vector<1xf32>
    %reduce_sum3A_35 = vector.multi_reduction <add>, %reduce_sum3A_33, %reduce_sum3A_34 [1, 2] : vector<1x1000x128xf32> to vector<1xf32>
    %reduce_sum3A_36 = vector.shape_cast %reduce_sum3A_35 : vector<1xf32> to vector<1x1x1xf32>
    %reduce_sum3A_37 = vector.extract %reduce_sum3A_36[0, 0, 0] : f32 from vector<1x1x1xf32>
    %reshape3A = vector.broadcast %reduce_sum3A_37 : f32 to vector<1x1xf32>
    %add3A = arith.addf %get3A_30, %reshape3A : vector<1x1xf32>
    %swap3A_38 = arith.constant 0 : index
    %swap3A_39 = arith.constant 0 : index
    %swap3A_40 = vector.load %arg6[%swap3A_38, %swap3A_39] : memref<1x1xf32, #tpu.memory_space<vmem>>, vector<1x1xf32>
    tpu.vector_store %arg6[%swap3A_38, %swap3A_39], %add3A {strides = array<i32>} : memref<1x1xf32, #tpu.memory_space<vmem>>, vector<1x1xf32>,
    return
  }
  func.func @transform_0(%arg0: i32) -> (i32, i32) {
    %c0_i32 = arith.constant 0 : i32
    %c0_i32_0 = arith.constant 0 : i32
    return %arg0, %c0_i32 : i32, i32
  }
  func.func @transform_1(%arg0: i32) -> (i32, i32) {
    %c0_i32 = arith.constant 0 : i32
    %c0_i32_0 = arith.constant 0 : i32
    %c0_i32_1 = arith.constant 0 : i32
    return %c0_i32, %c0_i32_0 : i32, i32
  }
  func.func @transform_2(%arg0: i32) -> (i32, i32) {
    %c0_i32 = arith.constant 0 : i32
    %c0_i32_0 = arith.constant 0 : i32
    %c0_i32_1 = arith.constant 0 : i32
    return %c0_i32, %c0_i32_0 : i32, i32
  }
  func.func @transform_3(%arg0: i32) -> (i32, i32) {
    %c0_i32 = arith.constant 0 : i32
    %c0_i32_0 = arith.constant 0 : i32
    return %arg0, %c0_i32 : i32, i32
  }
  func.func @transform_4(%arg0: i32) -> (i32, i32) {
    %c0_i32 = arith.constant 0 : i32
    %c0_i32_0 = arith.constant 0 : i32
    return %arg0, %c0_i32 : i32, i32
  }
  func.func @transform_5(%arg0: i32) -> (i32, i32) {
    %c0_i32 = arith.constant 0 : i32
    %c0_i32_0 = arith.constant 0 : i32
    %c0_i32_1 = arith.constant 0 : i32
    return %c0_i32, %c0_i32_0 : i32, i32
  }
}

</mosaic_0001>

<sc_bundles>
// kernel: kernel.4.cloned.1.call-start
scs
__scs_entry_jumppad:
0x0: {  	(pc) =	sbr.rel $0x88, $3  }
0x1: {  	(tag) =	ssettag $0x0;
	lr =	simm.s32 $0x1  }
0x2: {  	[smem:$0x3F9D] =	sst lr;
	_ =	strace $0xD0000000  }
0x3: {  	_ = 	snop  }
0x4: {  	_ = 	snop  }
0x5: {  	_ = 	snop  }
0x6: {  	_ = 	snop  }
0x7: {  	_ = 	snop  }
__scs_overlays_trampoline_lowered:
0x8: {  	[smem:$0x3FAC] =	sst s0  }
0x9: {  	[smem:$0x3FAD] =	sst s1  }
0xa: {  	[smem:$0x3FAE] =	sst s2  }
0xb: {  	[smem:$0x3FAF] =	sst s3  }
0xc: {  	[smem:$0x3FB0] =	sst s4  }
0xd: {  	[smem:$0x3FB1] =	sst s5  }
0xe: {  	[smem:$0x3FB2] =	sst s6  }
0xf: {  	[smem:$0x3FB3] =	sst s7  }
0x10: {  	[smem:$0x3FB4] =	sst s8  }
0x11: {  	[smem:$0x3FB5] =	sst s9;
	s0 =	simm.s32 @!p0 $0x0  }
0x12: {  	s1 =	sld [smem:$0x3F9B];
	s0 =	simm.s32 @p0 $0x1  }
0x13: {  	[smem:$0x3FB6] =	sst s0;
	s0 =	simm.s32 @!p1 $0x0  }
0x14: {  	s2 =	sld [smem:$0x3F9A];
	s0 =	simm.s32 @p1 $0x1  }
0x15: {  	[smem:$0x3FB7] =	sst s0;
	s0 =	simm.s32 @!p2 $0x0  }
0x16: {  	s3 =	sld [smem:$0x3FDB];
	s0 =	simm.s32 @p2 $0x1  }
0x17: {  	s4 =	simm.s32 $0x1BF5;
	[smem:$0x3FB9] =	sst s0  }
0x18: {  	s0 =	sld [smem:$0x3F9C];
	_ =	swait.ge [sflag:s4], $0x0  }
0x19: {  	s7 =	sld [smem:$0x3F9D]  }
0x1a: {  	s8 =	sadd.s32 $0xFFFFE003, lr  }
0x1b: {  	s9 =	sadd.s32 $0xFFFFFEF7, lr;
	s5 =	simm.s32 $0xFFFFFFFF;
	p2 =	slt.u32 s8, $0xFFFFF086  }
0x1c: {  	p1 =	slt.u32 s9, $0xF7A;
	s5 =	simm.s32 @!p2 $0x0  }
0x1d: {  	s5 =	simm.s32 @p1 $0x1;
	p0 =	seq.s32 s7, s2  }
0x1e: {  	s7 =	smul.u32 @!p0 $0xF7A, s2;
	p2 =	seq.s32 @!p0 s5, $0x0  }
0x1f: {  	s9 =	smul.u32 $0xF7A, s1;
	s8 =	simm.s32 @!p0 $0x1BF5;
	p2 =	por !p2, p0  }
0x20: {  	[sflag:s8] =	ssyncset.s32 @!p0 $0xFFFFF086;
	s6 =	sadd.s32 @!p0 s3, s7;
	s7 =	simm.s32 @!p0 $0x108  }
0x21: {  	s3 =	sadd.s32 s3, s9;
	s6 =	sadd.s32 @!p0 $0x88, s6;
	s7 =	simm.s32 @p2 $0x1082  }
0x22: {  	[simem:s7], [sflag:s8] =	dma.local @!p0 [hbm:s6], $0xF7A  }
0x23: {  	s9 =	sor.u32 $0xD0000000, s2;
	s6 =	simm.s32 $0x108;
	_ =	swait.ge @!p0 [sflag:s8], $0x0  }
0x24: {  	s3 =	sadd.s32 $0x88, s3;
	s6 =	simm.s32 @!p1 $0x1082;
	[sflag:s4] =	ssyncset.s32 $0xFFFFF086  }
0x25: {  	[simem:s6], [sflag:s4] =	dma.local [hbm:s3], $0xF7A  }
0x26: {  	[smem:$0x3F9D] =	sst s1;
	(tag) =	ssettag s2;
	_ =	strace s9  }
0x27: {  	s1 =	sld [smem:$0x3FAD]  }
0x28: {  	s2 =	sld [smem:$0x3FAE]  }
0x29: {  	s4 =	sld [smem:$0x3FB0]  }
0x2a: {  	p0 =	seq.s32 s5, $0x0;
	s5 =	sld [smem:$0x3FB1]  }
0x2b: {  	s6 =	sld [smem:$0x3FB2]  }
0x2c: {  	s7 =	sld [smem:$0x3FB3]  }
0x2d: {  	s3 =	simm.s32 $0x108;
	s8 =	sld [smem:$0x3FB4]  }
0x2e: {  	s3 =	simm.s32 @!p0 $0x1082;
	s9 =	sld [smem:$0x3FB5]  }
0x2f: {  	lr =	sadd.s32 s0, s3;
	s0 =	sld [smem:$0x3FAC]  }
0x30: {  	s3 =	sld [smem:$0x3FAF]  }
0x31: {  	[smem:$0x3FB8] =	sst s10  }
0x32: {  	s10 =	sld [smem:$0x3FB6];
	_ =	sdelay $0x3  }
0x33: {  	p0 =	seq.s32 s10, $0x1;
	s10 =	sld [smem:$0x3FB8];
	_ =	sdelay $0x3  }
0x34: {  	[smem:$0x3FB8] =	sst s10  }
0x35: {  	s10 =	sld [smem:$0x3FB7];
	_ =	sdelay $0x3  }
0x36: {  	p1 =	seq.s32 s10, $0x1;
	s10 =	sld [smem:$0x3FB8];
	_ =	sdelay $0x3  }
0x37: {  	[smem:$0x3FB8] =	sst s10  }
0x38: {  	s10 =	sld [smem:$0x3FB9]  }
0x39: {  	_ = 	snop;
	(pc) =	sbr.ind lr, $3  }
0x3a: {  	_ = 	snop  }
0x3b: {  	_ = 	snop  }
0x3c: {  	p2 =	seq.s32 s10, $0x1;
	s10 =	sld [smem:$0x3FB8]  }
0x3d: {  	_ =	shalt  }
0x3e: {  	_ =	shalt  }
0x3f: {  	_ =	shalt  }
0x40: {  	_ =	shalt  }
0x41: {  	_ =	shalt  }
0x42: {  	_ =	shalt  }
0x43: {  	_ =	shalt  }
0x44: {  	_ =	shalt  }
0x45: {  	_ =	shalt  }
0x46: {  	_ =	shalt  }
0x47: {  	_ =	shalt  }
0x48: {  	_ =	shalt  }
0x49: {  	_ =	shalt  }
0x4a: {  	_ =	shalt  }
0x4b: {  	_ =	shalt  }
0x4c: {  	_ =	shalt  }
0x4d: {  	_ =	shalt  }
0x4e: {  	_ =	shalt  }
0x4f: {  	_ =	shalt  }
0x50: {  	_ =	shalt  }
0x51: {  	_ =	shalt  }
0x52: {  	_ =	shalt  }
0x53: {  	_ =	shalt  }
0x54: {  	_ =	shalt  }
0x55: {  	_ =	shalt  }
0x56: {  	_ =	shalt  }
0x57: {  	_ =	shalt  }
0x58: {  	_ =	shalt  }
0x59: {  	_ =	shalt  }
0x5a: {  	_ =	shalt  }
0x5b: {  	_ =	shalt  }
0x5c: {  	_ =	shalt  }
0x5d: {  	_ =	shalt  }
0x5e: {  	_ =	shalt  }
0x5f: {  	_ =	shalt  }
0x60: {  	_ =	shalt  }
0x61: {  	_ =	shalt  }
0x62: {  	_ =	shalt  }
0x63: {  	_ =	shalt  }
0x64: {  	_ =	shalt  }
0x65: {  	_ =	shalt  }
0x66: {  	_ =	shalt  }
0x67: {  	_ =	shalt  }
0x68: {  	_ =	shalt  }
0x69: {  	_ =	shalt  }
0x6a: {  	_ =	shalt  }
0x6b: {  	_ =	shalt  }
0x6c: {  	_ =	shalt  }
0x6d: {  	_ =	shalt  }
0x6e: {  	_ =	shalt  }
0x6f: {  	_ =	shalt  }
0x70: {  	_ =	shalt  }
0x71: {  	_ =	shalt  }
0x72: {  	_ =	shalt  }
0x73: {  	_ =	shalt  }
0x74: {  	_ =	shalt  }
0x75: {  	_ =	shalt  }
0x76: {  	_ =	shalt  }
0x77: {  	_ =	shalt  }
0x78: {  	_ =	shalt  }
0x79: {  	_ =	shalt  }
0x7a: {  	_ =	shalt  }
0x7b: {  	_ =	shalt  }
0x7c: {  	_ =	shalt  }
0x7d: {  	_ =	shalt  }
0x7e: {  	_ =	shalt  }
0x7f: {  	_ =	shalt  }
0x80: {  	_ =	shalt  }
0x81: {  	_ =	shalt  }
0x82: {  	_ =	shalt  }
0x83: {  	_ =	shalt  }
0x84: {  	_ =	shalt  }
0x85: {  	_ =	shalt  }
0x86: {  	_ =	shalt  }
0x87: {  	_ =	shalt  }
.Lfunc_end0:
.L_simem_size_0:
called_computation_lowered:
.L_overlay_start_0:
0x88: {  	s2 =	sld [smem:$0x3FD9]  }
0x89: {  	s3 =	sld [smem:$0x3FFE];
	_ =	sdelay $0x1  }
0x8a: {  	s1 =	srdreg.scid  }
0x8b: {  	s0 =	sand.u32 $0x1, s1  }
0x8c: {  	s16 =	sshll.u32 s0, $0xA;
	s2 =	sadd.s32 s3, s2  }
0x8d: {  	s2 =	sadd.s32 s2, s16  }
0x8e: {  	[smem:$0x3FC4] =	sst s2  }
0x8f: {  	_ = 	snop  }
0x90: {  	(tm) =	ssettm $0x1  }
0x91: {  	s17 =	sld [smem:$0x3FFB];
	_ =	sdelay $0x3  }
0x92: {  	_ =	strace s17  }
0x93: {  	s2 =	sld [smem:$0x3FFC];
	_ =	sdelay $0x3  }
0x94: {  	_ =	strace s2  }
0x95: {  	s2 =	sld [smem:$0x3FFD];
	_ =	sdelay $0x3  }
0x96: {  	_ =	strace s2  }
0x97: {  	_ =	strace $0x8FFFFFFF  }
0x98: {  	s18 =	sld [smem:$0x3FDB];
	_ =	sdelay $0x1  }
0x99: {  	s19 =	simm.s32 $_scs_section_size  }
0x9a: {  	s4 =	simm.s32 $_size__tile_overlayer_lowered;
	s5 =	simm.s32 $_tile_overlayer_lowered  }
0x9b: {  	s22 =	simm.s32 $0x1BFF;
	s21 =	sshll.u32 s5, $0x1;
	s2 =	sadd.s32 s19, s18  }
0x9c: {  	s6 =	simm.s32 $0x0;
	s20 =	sshll.u32 s4, $0x1;
	s4 =	sadd.s32 s21, s2  }
0x9d: {  	[timem:s6], [sflag:s22] =	dma.local [hbm:s4], s20  }
0x9e: {  	_ =	swait.ge [sflag:s22], s20  }
0x9f: {  	s3 =	ssub.s32 $0x0, s20;
	[sflag:s22] =	ssyncset.done $0x0  }
0xa0: {  	[sflag:s22] =	ssyncadd.s32 s3;
	_ =	sdelay $0x1  }
0xa1: {  	s23 =	simm.s32 $0x1B8B  }
0xa2: {  	_ =	swait.ge [sflag:s23], $0x1  }
0xa3: {  	[sflag:s23] =	ssyncset.done $0x0  }
0xa4: {  	s25 =	simm.s32 $0x1B8E;
	s24 =	sld [smem:$0x3FFE];
	[sflag:s23] =	ssyncadd.s32 $0xFFFFFFFF  }
0xa5: {  	s26 =	simm.s32 $execute0_lowered;
	[smem:$0x3FD2] =	sst s25  }
0xa6: {  	s4 =	sshll.u32 s26, $0x1;
	_ =	strace $0x80000046;
	[dreg:$0x1] =	wrdreg $0xFFFFFFFF  }
0xa7: {  	s28 =	simm.s32 $_size_execute0_lowered;
	s2 =	sadd.s32 s2, s4;
	[dreg:$0x0] =	wrdreg $0x0  }
0xa8: {  	s4 =	sshll.u32 s28, $0x1;
	[dreg:$0x2] =	wrdreg s2  }
0xa9: {  	[dreg:$0x3] =	wrdreg s4  }
0xaa: {  	[dreg:$0x4] =	wrdreg $0xC0  }
0xab: {  	_ =	task [dreg:s6], $0x5FFFF  }
0xac: {  	[dreg:$0x1] =	wrdreg $0xFFFFFFFF  }
0xad: {  	[dreg:$0x0] =	wrdreg $0x60  }
0xae: {  	[dreg:$0x2] =	wrdreg s24  }
0xaf: {  	[dreg:$0x3] =	wrdreg $0x0  }
0xb0: {  	[dreg:$0x4] =	wrdreg $0x9  }
0xb1: {  	_ =	task.clear_ibuf [dreg:s6], $0x5FFFF;
	_ =	strace $0x90000046  }
0xb2: {  	s29 =	simm.s32 $0x9;
	_ =	strace $0x80000048  }
0xb3: {  	_ =	swait.ge [sflag:s29], $0x1  }
0xb4: {  	[sflag:s29] =	ssyncadd.s32 $0xFFFFFFFF  }
0xb5: {  	_ =	strace $0x90000048  }
0xb6: {  	_ =	sfence  }
0xb7: {  	s30 =	sld [smem:$0x0];
	_ =	sdelay $0x2  }
0xb8: {  	s31 =	sshll.u32 s1, $0xD;
	s1 =	sshrl.u32 s1, $0x2  }
0xb9: {  	s3 =	sand.u32 $0x4000, s31;
	s1 =	sadd.s32 s1, s30  }
0xba: {  	s0 =	sor.u32 s3, s0;
	s1 =	sshll.u32 s1, $0x11  }
0xbb: {  	s0 =	sor.u32 s1, s0  }
0xbc: {  	s0 =	sadd.s32 $0x8F2B, s0  }
0xbd: {  	[sflag:s0] =	ssyncadd.remote.s32 $0x1  }
0xbe: {  	_ =	sfence.sel $0xFFFF  }
0xbf: {  	[dreg:$0x0] =	wrdreg $0xFFFFFFFF;
	(pc) =	sbr.abs _section_cstart, $3  }
0xc0: {  	[dreg:$0x1] =	wrdreg $0xFFFFFFFF  }
0xc1: {  	_ =	task.clear_ibuf [dreg:s6], $0x2FFFF;
	_ =	strace $0x9FFFFFFF  }
0xc2: {  	(tm) =	ssettm $0x7FFFFFFF  }
0xc3: {  	_ =	shalt  }
tec
execute0_lowered:
.L_overlay_start_1:
0x0: {  	(tag) =	ssettag $0x1  }
0x1: {  	s1 =	rddreg [dreg:$0x0]  }
0x2: {  	s2 =	rddreg [dreg:$0x1];
	s3 =	srdreg.scid  }
0x3: {  	s0 =	rddreg [dreg:$0x2];
	s4 =	simm.s32 $0x0;
	s12 =	simm.s32 $0x18D30  }
0x4: {  	s13 =	simm.s32 $0x2;
	s14 =	simm.s32 $0x15F90;
	s15 =	simm.s32 $0x50  }
0x5: {  	s16 =	simm.s32 $0x16030;
	s17 =	simm.s32 $0x1;
	s18 =	simm.s32 $0x15FE0  }
0x6: {  	s19 =	simm.s32 $0x1BA30;
	s20 =	simm.s32 $0x1E730;
	s6 =	sand.u32 $0x1, s3  }
0x7: {  	s21 =	simm.s32 $0x0;
	s3 =	stileid.u32;
	s7 =	smul.u32 $0x4E200, s6  }
0x8: {  	[smem:$0x7FF] =	sst s4;
	s5 =	sadd.s32 $0x4E200, s1;
	s8 =	smul.u32 $0x4E20, s3  }
0x9: {  	_ =	strace $0x80000047;
	s29 =	sshll.u32 s3, $0x1;
	s9 =	sshll.u32 s6, $0x5  }
0xa: {  	s30 =	ssub.s32 $0x2, s6;
	p0 =	seq.s32 s3, $0xF;
	s6 =	simm.s32 $0x5  }
0xb: {  	s10 =	smul.u32 $0x5A000, s3;
	s31 =	sshrl.u32 s30, $0x1;
	s6 =	simm.s32 @!p0 $0x8  }
0xc: {  	s7 =	sadd.s32 s8, s7;
	s8 =	sor.u32 s29, s9;
	s9 =	ssub.s32 s30, s31  }
0xd: {  	s10 =	sshrl.u32 s10, $0x2;
	s7 =	sshrl.u32 s7, $0x3;
	s8 =	sadd.s32 s8, s1  }
0xe: {  	s9 =	smax.u32 s9, $0x1;
	s10 =	sadd.s32 s10, s2;
	s11 =	sadd.s32 s7, s1  }
0xf: {  	v0 =	vimm.f32 $0.0e+00;
	s7 =	smul.u32 $0x280, s3;
	s8 =	sadd.s32 $0x3FA00, s8;
	s11 =	sadd.s32 $0x2C000, s11  }
.LBB2_1:
0x10: {  	s22 =	simm.s32 $0x0;
	s23 =	simm.s32 $0x240  }
.LBB2_2:
0x11: {  	p0 =	sne.s32 s23, $0xB1C0;
	[tilespmem:s22+$0x18DB0] =	vst v0  }
0x12: {  	[tilespmem:s22+$0x18D30] =	vst v0  }
0x13: {  	[tilespmem:s22+$0x18D40] =	vst v0  }
0x14: {  	[tilespmem:s22+$0x18D50] =	vst v0  }
.Ltmp0:
0x15: {  	[tilespmem:s22+$0x18D60] =	vst v0;
	(pc) =	sbr.rel @p0 .LBB2_2-.Ltmp0, $4  }
0x16: {  	[tilespmem:s22+$0x18D70] =	vst v0  }
0x17: {  	[tilespmem:s22+$0x18D80] =	vst v0  }
0x18: {  	[tilespmem:s22+$0x18D90] =	vst v0  }
0x19: {  	[tilespmem:s22+$0x18DA0] =	vst v0;
	s22 =	sshra.s32 s23, $0x2;
	s23 =	sadd.s32 $0x240, s23  }
0x1a: {  	[tilespmem:s22+$0x18DB0] =	vst v0  }
0x1b: {  	[tilespmem:s22+$0x18D30] =	vst v0  }
0x1c: {  	[tilespmem:s22+$0x18D40] =	vst v0  }
0x1d: {  	[tilespmem:s22+$0x18D50] =	vst v0  }
0x1e: {  	[tilespmem:s22+$0x18D60] =	vst v0  }
0x1f: {  	[tilespmem:s22+$0x18D70] =	vst v0  }
0x20: {  	[tilespmem:s22+$0x18D80] =	vst v0;
	p0 =	sne.s32 s6, $0x1  }
.Ltmp1:
0x21: {  	[tilespmem:s22+$0x18D90] =	vst v0;
	(pc) =	sbr.rel @!p0 .LBB2_5-.Ltmp1, $4  }
0x22: {  	[tilespmem:s22+$0x18DA0] =	vst v0  }
0x23: {  	[spmem:s10] =	stream.linear.scatter [tilespmem:s12], [sflag:$0x2], $0x2D00, $0x38;
	[tilespmem:$0x1E740] =	vst v63  }
0x24: {  	_ =	swait.ge [sflag:s13], $0x2D00  }
0x25: {  	s22 =	sadd.s32 $0xFFFFFFFF, s6;
	s23 =	smov.u32 s10;
	[sflag:s13] =	ssyncset.done $0x0  }
.LBB2_4:
0x26: {  	p0 =	sne.s32 s22, $0x1;
	[sflag:s13] =	ssyncadd.s32 $0xFFFFD300;
	s23 =	sadd.s32 $0x2D00, s23  }
.Ltmp2:
0x27: {  	s22 =	sadd.s32 $0xFFFFFFFF, s22;
	(pc) =	sbr.rel @p0 .LBB2_4-.Ltmp2, $4  }
0x28: {  	_ = 	snop  }
0x29: {  	[spmem:s23] =	stream.linear.scatter [tilespmem:s12], [sflag:$0x2], $0x2D00, $0x38;
	[tilespmem:$0x1E740] =	vst v63  }
0x2a: {  	_ =	swait.ge [sflag:s13], $0x2D00  }
0x2b: {  	[sflag:s13] =	ssyncset.done $0x0  }
.LBB2_5:
0x2c: {  	[sflag:s13] =	ssyncadd.s32 $0xFFFFD300  }
0x2d: {  	s22 =	sadd.s32 $0x0, s11;
	[bflag:$0x0] =	sbarrier.arrive $0xFFFF  }
0x2e: {  	[tilespmem:s14], [sflag:$0x2] =	stream.linear.gather [hbm4b:s22+s4], $0xA0, $0x38;
	[tilespmem:$0x1E740] =	vst v63  }
0x2f: {  	_ =	swait.ge [sflag:s13], $0xA0  }
0x30: {  	[sflag:s13] =	ssyncset.done $0x0  }
0x31: {  	[sflag:s13] =	ssyncadd.s32 $0xFFFFFF60  }
0x32: {  	[tilespmem:s16], [sflag:$0x1] =	stream.indirect.gather [hbm4b:s1+s15], $0x90, s14, s15, $0xb8;
	[tilespmem:$0x1E740] =	vst v63  }
0x33: {  	_ =	swait.ge [sflag:s17], $0x2D00  }
0x34: {  	[sflag:s17] =	ssyncset.done $0x0  }
0x35: {  	[sflag:s17] =	ssyncadd.s32 $0xFFFFD300  }
0x36: {  	[spmem:s2] =	stream.indirect.scatter.add.f32 [tilespmem:s16], [sflag:$0x2], $0x90, s18, s15, $0xb8;
	[tilespmem:$0x1E740] =	vst v63  }
0x37: {  	_ =	swait.ge [sflag:s13], $0x2D00  }
0x38: {  	s23 =	simm.s32 $0x28;
	s22 =	simm.s32 $0x14;
	[sflag:s13] =	ssyncset.done $0x0  }
.LBB2_6:
0x39: {  	s24 =	sadd.s32 s22, s11  }
0x3a: {  	[sflag:s13] =	ssyncadd.s32 $0xFFFFD300;
	s22 =	smov.u32 s23;
	s25 =	sadd.s32 $0x14, s23  }
0x3b: {  	[tilespmem:s14], [sflag:$0x2] =	stream.linear.gather [hbm4b:s24+s4], $0xA0, $0x38;
	[tilespmem:$0x1E740] =	vst v63  }
0x3c: {  	p0 =	sne.s32 s23, $0x9B0;
	_ =	swait.ge [sflag:s13], $0xA0  }
0x3d: {  	[sflag:s13] =	ssyncset.done $0x0  }
0x3e: {  	[sflag:s13] =	ssyncadd.s32 $0xFFFFFF60  }
0x3f: {  	[tilespmem:s16], [sflag:$0x1] =	stream.indirect.gather [hbm4b:s1+s15], $0x90, s14, s15, $0xb8;
	[tilespmem:$0x1E740] =	vst v63  }
0x40: {  	_ =	swait.ge [sflag:s17], $0x2D00  }
.Ltmp3:
0x41: {  	[sflag:s17] =	ssyncset.done $0x0;
	(pc) =	sbr.rel @p0 .LBB2_6-.Ltmp3, $4  }
0x42: {  	[sflag:s17] =	ssyncadd.s32 $0xFFFFD300  }
0x43: {  	[spmem:s2] =	stream.indirect.scatter.add.f32 [tilespmem:s16], [sflag:$0x2], $0x90, s18, s15, $0xb8;
	[tilespmem:$0x1E740] =	vst v63  }
0x44: {  	_ =	swait.ge [sflag:s13], $0x2D00  }
0x45: {  	s23 =	smov.u32 s25;
	[sflag:s13] =	ssyncset.done $0x0  }
0x46: {  	s22 =	sadd.s32 s22, s11;
	[sflag:s13] =	ssyncadd.s32 $0xFFFFD300  }
0x47: {  	[tilespmem:s14], [sflag:$0x2] =	stream.linear.gather [hbm4b:s22+s4], $0xA0, $0x38;
	[tilespmem:$0x1E740] =	vst v63  }
0x48: {  	_ =	swait.ge [sflag:s13], $0xA0  }
0x49: {  	[sflag:s13] =	ssyncset.done $0x0  }
0x4a: {  	[sflag:s13] =	ssyncadd.s32 $0xFFFFFF60  }
0x4b: {  	[tilespmem:s16], [sflag:$0x1] =	stream.indirect.gather [hbm4b:s1+s15], $0x90, s14, s15, $0xb8;
	[tilespmem:$0x1E740] =	vst v63  }
0x4c: {  	_ =	swait.ge [sflag:s17], $0x2D00  }
0x4d: {  	[sflag:s17] =	ssyncset.done $0x0  }
0x4e: {  	[sflag:s17] =	ssyncadd.s32 $0xFFFFD300  }
0x4f: {  	[spmem:s2] =	stream.indirect.scatter.add.f32 [tilespmem:s16], [sflag:$0x2], $0x90, s18, s15, $0xb8;
	[tilespmem:$0x1E740] =	vst v63  }
0x50: {  	_ =	swait.ge [sflag:s13], $0x2D00  }
0x51: {  	[sflag:s13] =	ssyncset.done $0x0  }
0x52: {  	[sflag:s13] =	ssyncadd.s32 $0xFFFFD300  }
0x53: {  	v1 =	vimm.f32 $0.0e+00;
	s23 =	simm.s32 $0x0;
	s22 =	simm.s32 $0x0;
	[bflag:$0x0] =	sbarrier.arrive $0xFFFF  }
.LBB2_8:
0x54: {  	s24 =	smul.u32 $0x50, s23;
	_ =	sdelay $0x1  }
0x55: {  	s24 =	sadd.s32 s7, s24  }
0x56: {  	s24 =	smul.u32 $0x90, s24;
	_ =	sdelay $0x1  }
0x57: {  	s25 =	sadd.s32 s24, s2  }
0x58: {  	[tilespmem:s12], [sflag:$0x2] =	stream.linear.gather [spmem:s25], $0x2D00, $0x38;
	[tilespmem:$0x1E740] =	vst v63  }
0x59: {  	_ =	swait.ge [sflag:s13], $0x2D00  }
0x5a: {  	s24 =	sshrl.u32 s24, $0x3;
	[sflag:s13] =	ssyncset.done $0x0  }
0x5b: {  	s24 =	sadd.s32 s5, s24;
	[sflag:s13] =	ssyncadd.s32 $0xFFFFD300  }
0x5c: {  	[tilespmem:s19], [sflag:$0x2] =	stream.linear.gather [hbm4b:s24+s22], $0x2D00, $0x38;
	[tilespmem:$0x1E740] =	vst v63  }
0x5d: {  	_ =	swait.ge [sflag:s13], $0x2D00  }
0x5e: {  	[sflag:s13] =	ssyncset.done $0x0  }
0x5f: {  	s31 =	simm.s32 $0x0;
	[sflag:s13] =	ssyncadd.s32 $0xFFFFD300  }
0x60: {  	v2 =	vld [tilespmem:s31+$0x18D30]  }
0x61: {  	v3 =	vld [tilespmem:s31+$0x1BA30]  }
0x62: {  	v4 =	vld [tilespmem:s31+$0x18D40]  }
0x63: {  	v5 =	vld [tilespmem:s31+$0x1BA40]  }
0x64: {  	v6 =	vld [tilespmem:s31+$0x18D50]  }
0x65: {  	v7 =	vld [tilespmem:s31+$0x1BA50]  }
0x66: {  	v8 =	vld [tilespmem:s31+$0x1BA60];
	v2 =	vmul.f32 v3, v2  }
0x67: {  	v3 =	vld [tilespmem:s31+$0x18D60]  }
0x68: {  	v1 =	vadd.f32 v2, v1;
	v2 =	vmul.f32 v5, v4;
	v4 =	vld [tilespmem:s31+$0x18D70]  }
0x69: {  	v5 =	vld [tilespmem:s31+$0x1BA70]  }
0x6a: {  	v1 =	vadd.f32 v2, v1;
	v2 =	vmul.f32 v7, v6;
	v6 =	vld [tilespmem:s31+$0x18D80]  }
0x6b: {  	v7 =	vld [tilespmem:s31+$0x1BA80]  }
0x6c: {  	v9 =	vld [tilespmem:s31+$0x1BA90];
	v1 =	vadd.f32 v2, v1;
	v2 =	vmul.f32 v8, v3  }
0x6d: {  	v8 =	vld [tilespmem:s31+$0x18D90]  }
0x6e: {  	v3 =	vmul.f32 v5, v4;
	v4 =	vld [tilespmem:s31+$0x1BAA0];
	v2 =	vadd.f32 v2, v1  }
0x6f: {  	v1 =	vld [tilespmem:s31+$0x18DA0]  }
0x70: {  	v5 =	vld [tilespmem:s31+$0x1BAB0];
	v6 =	vmul.f32 v7, v6;
	v10 =	vadd.f32 v3, v2  }
0x71: {  	s24 =	simm.s32 $0x90;
	v2 =	vld [tilespmem:s31+$0x18DB0]  }
0x72: {  	s25 =	simm.s32 $0x480;
	v3 =	vld [tilespmem:s24+$0x18D30];
	v7 =	vmul.f32 v9, v8;
	v6 =	vadd.f32 v6, v10  }
.LBB2_9:
0x73: {  	p0 =	sne.s32 s25, $0xB1C0;
	v8 =	vld [tilespmem:s24+$0x1BA30]  }
0x74: {  	v9 =	vld [tilespmem:s24+$0x18D40];
	v6 =	vadd.f32 v7, v6;
	v1 =	vmul.f32 v4, v1  }
0x75: {  	v4 =	vld [tilespmem:s24+$0x1BA40]  }
0x76: {  	v7 =	vld [tilespmem:s24+$0x18D50];
	v1 =	vadd.f32 v1, v6;
	v2 =	vmul.f32 v5, v2  }
0x77: {  	v5 =	vld [tilespmem:s24+$0x1BA50]  }
0x78: {  	v3 =	vmul.f32 v8, v3;
	v6 =	vld [tilespmem:s24+$0x18D60];
	v1 =	vadd.f32 v2, v1  }
0x79: {  	v2 =	vld [tilespmem:s24+$0x1BA60]  }
0x7a: {  	v1 =	vadd.f32 v3, v1;
	v3 =	vmul.f32 v4, v9;
	v4 =	vld [tilespmem:s24+$0x18D70]  }
0x7b: {  	v8 =	vld [tilespmem:s24+$0x1BA70]  }
0x7c: {  	v1 =	vadd.f32 v3, v1;
	v3 =	vmul.f32 v5, v7;
	v5 =	vld [tilespmem:s24+$0x18D80]  }
0x7d: {  	v7 =	vld [tilespmem:s24+$0x1BA80]  }
0x7e: {  	v1 =	vadd.f32 v3, v1;
	v2 =	vmul.f32 v2, v6;
	v9 =	vld [tilespmem:s24+$0x18D90]  }
0x7f: {  	v10 =	vld [tilespmem:s24+$0x1BA90]  }
.Ltmp4:
0x80: {  	v2 =	vadd.f32 v2, v1;
	v3 =	vmul.f32 v8, v4;
	v1 =	vld [tilespmem:s24+$0x18DA0];
	(pc) =	sbr.rel @p0 .LBB2_9-.Ltmp4, $4  }
0x81: {  	v4 =	vld [tilespmem:s24+$0x1BAA0]  }
0x82: {  	v6 =	vadd.f32 v3, v2;
	v7 =	vmul.f32 v7, v5;
	v2 =	vld [tilespmem:s24+$0x18DB0]  }
0x83: {  	v5 =	vld [tilespmem:s24+$0x1BAB0];
	s24 =	sshra.s32 s25, $0x2  }
0x84: {  	s25 =	sadd.s32 $0x240, s25;
	v3 =	vld [tilespmem:s24+$0x18D30];
	v6 =	vadd.f32 v7, v6;
	v7 =	vmul.f32 v10, v9  }
0x85: {  	v8 =	vld [tilespmem:s24+$0x1BA30]  }
0x86: {  	v9 =	vld [tilespmem:s24+$0x18D40];
	v6 =	vadd.f32 v7, v6;
	v1 =	vmul.f32 v4, v1  }
0x87: {  	v51 =	vld [tilespmem:s24+$0x1BA40]  }
0x88: {  	v52 =	vld [tilespmem:s24+$0x18D50];
	v1 =	vadd.f32 v1, v6;
	v2 =	vmul.f32 v5, v2  }
0x89: {  	v53 =	vld [tilespmem:s24+$0x1BA50]  }
0x8a: {  	v54 =	vld [tilespmem:s24+$0x18D60];
	v3 =	vmul.f32 v8, v3;
	v1 =	vadd.f32 v2, v1  }
0x8b: {  	v2 =	vld [tilespmem:s24+$0x1BA60]  }
0x8c: {  	v55 =	vld [tilespmem:s24+$0x18D70];
	v1 =	vadd.f32 v3, v1;
	v3 =	vmul.f32 v51, v9  }
0x8d: {  	v56 =	vld [tilespmem:s24+$0x1BA70]  }
0x8e: {  	v57 =	vld [tilespmem:s24+$0x18D80];
	v1 =	vadd.f32 v3, v1;
	v3 =	vmul.f32 v53, v52  }
0x8f: {  	v58 =	vld [tilespmem:s24+$0x1BA80]  }
0x90: {  	v59 =	vld [tilespmem:s24+$0x1BA90];
	v2 =	vmul.f32 v2, v54;
	v1 =	vadd.f32 v3, v1  }
0x91: {  	v3 =	vld [tilespmem:s24+$0x18D90]  }
0x92: {  	v60 =	vld [tilespmem:s24+$0x18DA0];
	v1 =	vadd.f32 v2, v1;
	v2 =	vmul.f32 v56, v55  }
0x93: {  	v61 =	vld [tilespmem:s24+$0x1BAA0]  }
0x94: {  	v62 =	vld [tilespmem:s24+$0x18DB0];
	v1 =	vadd.f32 v2, v1;
	v2 =	vmul.f32 v58, v57  }
0x95: {  	v63 =	vld [tilespmem:s24+$0x1BAB0]  }
0x96: {  	s23 =	sadd.s32 $0x1, s23;
	v1 =	vadd.f32 v2, v1;
	v2 =	vmul.f32 v59, v3  }
0x97: {  	p0 =	sne.s32 s23, s6  }
.Ltmp5:
0x98: {  	v1 =	vadd.f32 v2, v1;
	v2 =	vmul.f32 v61, v60;
	(pc) =	sbr.rel @p0 .LBB2_8-.Ltmp5, $3  }
0x99: {  	_ = 	snop  }
0x9a: {  	v1 =	vadd.f32 v2, v1;
	v2 =	vmul.f32 v63, v62;
	_ =	sdelay $0x1  }
0x9b: {  	v1 =	vadd.f32 v2, v1  }
0x9c: {  	s21 =	sadd.s32 $0x1, s21  }
0x9d: {  	p0 =	sne.s32 s21, s9  }
.Ltmp6:
0x9e: {  	[tilespmem:$0x1E730] =	vst v1;
	(pc) =	sbr.rel @p0 .LBB2_1-.Ltmp6, $4  }
0x9f: {  	[hbm4b:s8+s4] =	stream.linear.scatter [tilespmem:s20], [sflag:$0x2], $0x10, $0x38;
	[tilespmem:$0x1E740] =	vst v63  }
0xa0: {  	_ =	swait.ge [sflag:s13], $0x10  }
0xa1: {  	[sflag:s13] =	ssyncset.done $0x0  }
0xa2: {  	[sflag:s13] =	ssyncadd.s32 $0xFFFFFFF0  }
0xa3: {  	_ =	sfence.sel $0x180000  }
0xa4: {  	[bflag:$0x0] =	sbarrier.arrive $0xFFFF  }
0xa5: {  	p0 =	sne.s32 s3, $0x0;
	_ =	strace $0x90000047  }
0xa6: {  	s0 =	sadd.s32 @!p0 $0x100000, s0;
	[bflag:$0x2] =	sbarrier.arrive $0xFFFF  }
0xa7: {  	[sflag:s0] =	ssyncadd.tile.s32 @!p0 $0x1;
	_ =	shalt  }
.Lfunc_end2:
_tile_overlayer_lowered:
.L_overlay_start_2:
0xa8: {  	(tag) =	ssettag $0x2  }
0xa9: {  	s0 =	rddreg [dreg:$0x0];
	s2 =	stileid.u32  }
0xaa: {  	s1 =	rddreg [dreg:$0x1];
	p0 =	sne.s32 s2, $0x0  }
0xab: {  	s3 =	rddreg [dreg:$0x2];
	[bflag:$0x3] =	sbarrier.arrive $0xFFFF;
	s2 =	simm.s32 @!p0 $0x1C02  }
0xac: {  	[timem:s3], [sflag:s2] =	dma.local @!p0 [hbm:s0], s1  }
0xad: {  	s0 =	simm.s32 @!p0 $0x2  }
0xae: {  	_ =	swait.ge @!p0 [sflag:s0], s1  }
0xaf: {  	s1 =	ssub.s32 @!p0 $0x0, s1;
	[sflag:s0] =	ssyncset.done @!p0 $0x0  }
0xb0: {  	[sflag:s0] =	ssyncadd.s32 @!p0 s1  }
0xb1: {  	[bflag:$0x3] =	sbarrier.arrive $0xFFFF  }
0xb2: {  	_ =	shalt  }

</sc_bundles>
